<compile_context>
chip_gen: v7x
topology: tpu7x:2x2x1
jax: 0.10.2.dev20260603
libtpu: 0.0.44.dev20260713+nightly
codegen_flags: <defaults>
</compile_context>

<pallas_src>
import jax
import jax.numpy as jnp
from jax.experimental import pallas as pl
from jax.experimental.pallas import tpu as pltpu
from jax.experimental.pallas import tpu_sc as plsc

_SPB = 4
_KSC = 16
_SPB2 = 8



def _sc_l1_call(mlT, mpT, mtT, mel_len):
    B, NM, T = mlT.shape
    ml2 = mlT.reshape(B * NM, T)
    mp2 = mpT.reshape(B * NM, T)
    mt2 = mtT.reshape(B * NM, T)
    vector_mesh = plsc.VectorSubcoreMesh(core_axis_name="c", subcore_axis_name="s")
    lane_ids = jnp.arange(16, dtype=jnp.int32)
    tiles_per_sample = 32 // _KSC
    rows_per_tile = (_KSC * NM) // 32
    len_b = jnp.broadcast_to(
        jnp.repeat(mel_len[:_KSC], tiles_per_sample)[:, None], (32, 16))

    @pl.kernel(out_type=jax.ShapeDtypeStruct((32, 2, 16), jnp.float32),
               mesh=vector_mesh,
               scratch_types=[pltpu.VMEM((2, 16), jnp.float32),
                              pltpu.VMEM((16,), jnp.int32),
                              pltpu.VMEM((16,), jnp.int32),
                              pltpu.SemaphoreType.DMA])
    def k(ml_hbm, mp_hbm, mt_hbm, len_hbm, lid_hbm, o_hbm,
          acc_vmem, lid_vmem, len_vmem, sem):
        cid = jax.lax.axis_index("c")
        sid = jax.lax.axis_index("s")
        tile = cid * 16 + sid
        pltpu.async_copy(len_hbm.at[tile], len_vmem, sem).wait()
        pltpu.async_copy(lid_hbm, lid_vmem, sem).wait()
        m_len = len_vmem[:]
        lanes = lid_vmem[:]
        acc_vmem[0, :] = jnp.zeros((16,), jnp.float32)
        acc_vmem[1, :] = jnp.zeros((16,), jnp.float32)

        def body(ml_v, mp_v, mt_v):
            def chunk(i, carry):
                al, ap = carry
                c1 = i * 16
                ok = (c1 + lanes) < m_len
                zero = jnp.zeros((16,), jnp.float32)
                for r in range(8):
                    mt_r = mt_v[r, pl.ds(c1, 16)]
                    al += jnp.where(ok, jnp.abs(ml_v[r, pl.ds(c1, 16)] - mt_r), zero)
                    ap += jnp.where(ok, jnp.abs(mp_v[r, pl.ds(c1, 16)] - mt_r), zero)
                return al, ap
            al, ap = jax.lax.fori_loop(
                0, T // 16, chunk, (acc_vmem[0, :], acc_vmem[1, :]))
            acc_vmem[0, :] = al
            acc_vmem[1, :] = ap

        row0 = tile * rows_per_tile
        pltpu.emit_pipeline(
            body,
            grid=(rows_per_tile // 8,),
            in_specs=[pl.BlockSpec((8, T), lambda i: (i, 0))] * 3,
            out_specs=[],
        )(ml_hbm.at[pl.ds(row0, rows_per_tile)],
          mp_hbm.at[pl.ds(row0, rows_per_tile)],
          mt_hbm.at[pl.ds(row0, rows_per_tile)])

        pltpu.async_copy(acc_vmem, o_hbm.at[tile], sem).wait()

    return k(ml2, mp2, mt2, len_b, lane_ids)



def _tc_kernel(mel_len_ref, seq_len_ref, go_ref, gt_ref, al2_ref, al3_ref,
               out_ref, acc_ref):
    step = pl.program_id(0)
    nsteps = pl.num_programs(0)

    @pl.when(step == 0)
    def _init():
        for i in range(4):
            acc_ref[i] = 0.0

    s_bce = 0.0
    s_guide = 0.0
    n_sel = 0.0
    den_w = 0.0
    for j in range(_SPB):
        b = step * _SPB + j
        m_len = mel_len_ref[b]
        s_len = seq_len_ref[b]
        m_len_f = m_len.astype(jnp.float32)
        s_len_f = s_len.astype(jnp.float32)

        x = go_ref[pl.ds(b, 1), :]
        z = gt_ref[pl.ds(b, 1), :]
        t_idx = jax.lax.broadcasted_iota(jnp.int32, x.shape, 1)
        gmask = t_idx < m_len
        bce = jnp.maximum(x, 0.0) - x * z + jnp.log1p(jnp.exp(-jnp.abs(x)))
        s_bce += jnp.sum(jnp.where(gmask, bce, 0.0))

        a = al2_ref[j, 0] + al3_ref[j, 0]
        ll_i = jax.lax.broadcasted_iota(jnp.int32, a.shape, 0) + 1
        tt_i = jax.lax.broadcasted_iota(jnp.int32, a.shape, 1) + 1
        tt = tt_i.astype(jnp.float32)
        ll = ll_i.astype(jnp.float32)
        diff = tt * (1.0 / m_len_f) - ll * (1.0 / s_len_f)
        w = 1.0 - jnp.exp(-1.25 * diff * diff)
        inside = (tt_i <= m_len) & (ll_i <= s_len)
        s_guide += jnp.sum(jnp.where(inside, a * w, 0.0))

        n_sel += m_len_f
        den_w += m_len_f * s_len_f

    acc_ref[0] += s_bce
    acc_ref[1] += s_guide
    acc_ref[2] += n_sel
    acc_ref[3] += den_w

    @pl.when(step == nsteps - 1)
    def _finish():
        for i in range(4):
            out_ref[i] = acc_ref[i]



def _tc_mel_kernel(mel_len_ref, ml_ref, mp_ref, mt_ref, out_ref, acc_ref):
    step = pl.program_id(0)
    nsteps = pl.num_programs(0)

    @pl.when(step == 0)
    def _init():
        acc_ref[0] = 0.0
        acc_ref[1] = 0.0

    s_lin = 0.0
    s_post = 0.0
    for j in range(_SPB2):
        b = _KSC + step * _SPB2 + j
        m_len = mel_len_ref[b]
        ml = ml_ref[j]
        mp = mp_ref[j]
        mt = mt_ref[j]
        t_lane = jax.lax.broadcasted_iota(jnp.int32, ml.shape, 1)
        vmask = t_lane < m_len
        s_lin += jnp.sum(jnp.where(vmask, jnp.abs(ml - mt), 0.0))
        s_post += jnp.sum(jnp.where(vmask, jnp.abs(mp - mt), 0.0))

    acc_ref[0] += s_lin
    acc_ref[1] += s_post

    @pl.when(step == nsteps - 1)
    def _finish():
        out_ref[0] = acc_ref[0]
        out_ref[1] = acc_ref[1]


def kernel(mel_linear, mel_post, gate_out, mel_target, gate_target, mel_mask, mel_len, seq_len, alignments):
    B, T, NM = mel_linear.shape
    _, H, _, L = alignments.shape

    mlT = jnp.transpose(mel_linear, (0, 2, 1))
    mpT = jnp.transpose(mel_post, (0, 2, 1))
    mtT = jnp.transpose(mel_target, (0, 2, 1))
    alT = jnp.transpose(alignments, (0, 1, 3, 2))

    sc_partials = _sc_l1_call(mlT, mpT, mtT, mel_len)

    scalar_spec = pl.BlockSpec(memory_space=pltpu.SMEM)
    tc_out = pl.pallas_call(
        _tc_kernel,
        grid=(B // _SPB,),
        in_specs=[
            scalar_spec,
            scalar_spec,
            pl.BlockSpec((B, T), lambda i: (0, 0)),
            pl.BlockSpec((B, T), lambda i: (0, 0)),
            pl.BlockSpec((_SPB, 1, L, T), lambda i: (i, 2, 0, 0)),
            pl.BlockSpec((_SPB, 1, L, T), lambda i: (i, 3, 0, 0)),
        ],
        out_specs=pl.BlockSpec(memory_space=pltpu.SMEM),
        out_shape=jax.ShapeDtypeStruct((4,), jnp.float32),
        scratch_shapes=[pltpu.SMEM((4,), jnp.float32)],
    )(mel_len, seq_len, gate_out, gate_target, alT, alT)

    koff = _KSC // _SPB2
    mel_tail = pl.pallas_call(
        _tc_mel_kernel,
        grid=((B - _KSC) // _SPB2,),
        in_specs=[
            scalar_spec,
            pl.BlockSpec((_SPB2, NM, T), lambda i: (koff + i, 0, 0)),
            pl.BlockSpec((_SPB2, NM, T), lambda i: (koff + i, 0, 0)),
            pl.BlockSpec((_SPB2, NM, T), lambda i: (koff + i, 0, 0)),
        ],
        out_specs=pl.BlockSpec(memory_space=pltpu.SMEM),
        out_shape=jax.ShapeDtypeStruct((2,), jnp.float32),
        scratch_shapes=[pltpu.SMEM((2,), jnp.float32)],
    )(mel_len, mlT, mpT, mtT)

    s_bce, s_guide, n_sel, den_w = tc_out[0], tc_out[1], tc_out[2], tc_out[3]
    s_lin = jnp.sum(sc_partials[:, 0, :]) + mel_tail[0]
    s_post = jnp.sum(sc_partials[:, 1, :]) + mel_tail[1]

    mel_linear_loss = s_lin / (n_sel * NM)
    mel_post_loss = s_post / (n_sel * NM)
    gate_loss = s_bce / n_sel
    guide_loss = s_guide / (2.0 * den_w)
    return (mel_linear_loss, mel_post_loss, gate_loss, guide_loss)

# --- scband reference (transcript-rebuilt; emitter-appended) ---
"""Pipeline reference for scband-ttsloss-19310172963116 (READ-ONLY COPY).

The authoritative reference and input builder live on the scoring server;
editing this copy changes nothing except your own understanding.
"""

import jax, jax.numpy as jnp
import numpy as np


def setup_inputs(seed: int = 0):
    key = jax.random.key(seed)
    B, T, NM, L, H = 32, 800, 80, 160, 4
    ks = jax.random.split(key, 8)
    mel_linear = jax.random.normal(ks[0], (B, T, NM), dtype=jnp.float32)
    mel_post = jax.random.normal(ks[1], (B, T, NM), dtype=jnp.float32)
    gate_out = jax.random.normal(ks[2], (B, T), dtype=jnp.float32)
    mel_target = jax.random.normal(ks[3], (B, T, NM), dtype=jnp.float32)
    gate_target = jax.random.uniform(ks[4], (B, T), dtype=jnp.float32)
    mel_len = jax.random.randint(ks[5], (B,), 400, T + 1)
    seq_len = jax.random.randint(ks[6], (B,), 80, L + 1)
    mel_mask = jnp.arange(T)[None, :] >= mel_len[:, None]  # True = padded
    alignments = jax.random.uniform(ks[7], (B, H, T, L), dtype=jnp.float32)
    return {"mel_linear": mel_linear, "mel_post": mel_post, "gate_out": gate_out,
            "mel_target": mel_target, "gate_target": gate_target, "mel_mask": mel_mask,
            "mel_len": mel_len, "seq_len": seq_len, "alignments": alignments}


def reference(mel_linear, mel_post, gate_out, mel_target, gate_target, mel_mask, mel_len, seq_len, alignments):
    # mel_mask: True = padded; torch code does mel_mask = ~mel_mask then masked_select
    valid = jnp.logical_not(mel_mask)
    vf = valid.astype(jnp.float32)  # [B, T]
    NM = mel_target.shape[2]
    n_sel = jnp.sum(vf)
    w3 = vf[:, None, :]  # broadcast mask [B,1,T] over [B,NM,T]
    mt = jnp.transpose(mel_target, (0, 2, 1))
    ml = jnp.transpose(mel_linear, (0, 2, 1))
    mp = jnp.transpose(mel_post, (0, 2, 1))
    # L1Loss over masked-selected elements == masked sum / masked count
    mel_linear_loss = jnp.sum(jnp.abs(ml - mt) * w3) / (n_sel * NM)
    mel_post_loss = jnp.sum(jnp.abs(mp - mt) * w3) / (n_sel * NM)
    # BCEWithLogitsLoss over masked-selected elements
    x = gate_out
    z = gate_target
    bce = jnp.maximum(x, 0.0) - x * z + jax.nn.softplus(-jnp.abs(x))
    gate_loss = jnp.sum(bce * vf) / n_sel
    # guide loss (guided attention)
    B, H, T, L = alignments.shape
    t = jnp.arange(1, T + 1, dtype=jnp.float32)
    l = jnp.arange(1, L + 1, dtype=jnp.float32)
    mel_seq = t[None, :, None] / mel_len[:, None, None].astype(jnp.float32)
    text_seq = l[None, None, :] / seq_len[:, None, None].astype(jnp.float32)
    xx = (mel_seq - text_seq) ** 2
    maskW = (jnp.arange(T)[None, :, None] < mel_len[:, None, None]) & (jnp.arange(L)[None, None, :] < seq_len[:, None, None])
    mW = maskW.astype(jnp.float32)
    W = (1.0 - jnp.exp(-1.25 * xx)) * mW  # zero outside valid region, same as torch += on zeros
    applied = alignments[:, -2:]  # last 2 heads (4-dim branch)
    # losses.masked_select(mask).mean(); W is zero outside mask so masked sum == full sum
    guide_loss = jnp.sum(applied * W[:, None]) / (2.0 * jnp.sum(mW))
    return (mel_linear_loss, mel_post_loss, gate_loss, guide_loss)

if __name__ == "__main__":
    import jax
    _d = setup_inputs()
    print(jax.jit(kernel)(*tuple(_d.values())))

</pallas_src>

<mosaic_0001>
#map = affine_map<(d0, d1) -> (0, 0)>
#map1 = affine_map<(d0, d1) -> (0)>
#map2 = affine_map<(d0, d1) -> (0, 0, 0)>
module attributes {stable_mosaic.version = 14 : i64} {
  func.func @k(%arg0: i32, %arg1: i32, %arg2: memref<2560x800xf32, #tpu.memory_space<hbm>>, %arg3: memref<2560x800xf32, #tpu.memory_space<hbm>>, %arg4: memref<2560x800xf32, #tpu.memory_space<hbm>>, %arg5: memref<32x16xi32, #tpu.memory_space<hbm>>, %arg6: memref<16xi32, #tpu.memory_space<hbm>>, %arg7: memref<32x2x16xf32, #tpu.memory_space<hbm>>, %arg8: memref<2x16xf32, #tpu.memory_space<vmem>>, %arg9: memref<16xi32, #tpu.memory_space<vmem>>, %arg10: memref<16xi32, #tpu.memory_space<vmem>>, %arg11: memref<!tpu.dma_semaphore, #tpu.memory_space<semaphore_mem>>) attributes {dimension_semantics = [#tpu.dimension_semantics<core_parallel>, #tpu.dimension_semantics<subcore_parallel>], iteration_bounds = array<i64: 2, 16>, scalar_prefetch = 0 : i64, scratch_operands = 4 : i64, tpu.core_type = #tpu.core_type<sc_vector_subcore>, window_params = [{transform_indices = #map}, {transform_indices = #map}, {transform_indices = #map}, {transform_indices = #map}, {transform_indices = #map1}, {transform_indices = #map2}]} {
    %mul3A = arith.constant 16 : i32
    %mul3A_0 = arith.muli %arg0, %mul3A : i32
    %add3A = arith.addi %mul3A_0, %arg1 : i32
    %dma_start3A = arith.constant 0 : i32
    %dma_start3A_1 = tpu.memref_slice %arg5[%add3A, %dma_start3A] : memref<32x16xi32, #tpu.memory_space<hbm>> -> memref<1x16xi32, #tpu.memory_space<hbm>>
    %dma_start3A_2 = tpu.memref_squeeze %dma_start3A_1 : memref<1x16xi32, #tpu.memory_space<hbm>> -> memref<16xi32, #tpu.memory_space<hbm>>
    %dma_start3A_3 = arith.constant 0 : i32
    %dma_start3A_4 = tpu.memref_slice %arg5[%add3A, %dma_start3A_3] : memref<32x16xi32, #tpu.memory_space<hbm>> -> memref<1x16xi32, #tpu.memory_space<hbm>>
    %dma_start3A_5 = tpu.memref_squeeze %dma_start3A_4 : memref<1x16xi32, #tpu.memory_space<hbm>> -> memref<16xi32, #tpu.memory_space<hbm>>
    tpu.enqueue_dma source(%dma_start3A_5 : memref<16xi32, #tpu.memory_space<hbm>>) target(%arg10 : memref<16xi32, #tpu.memory_space<vmem>>) target_semaphore(%arg11 : memref<!tpu.dma_semaphore, #tpu.memory_space<semaphore_mem>>)
    %dma_wait3A = arith.constant 0 : i32
    %dma_wait3A_6 = tpu.memref_slice %arg5[%add3A, %dma_wait3A] : memref<32x16xi32, #tpu.memory_space<hbm>> -> memref<1x16xi32, #tpu.memory_space<hbm>>
    %dma_wait3A_7 = tpu.memref_squeeze %dma_wait3A_6 : memref<1x16xi32, #tpu.memory_space<hbm>> -> memref<16xi32, #tpu.memory_space<hbm>>
    %dma_wait3A_8 = arith.constant 0 : i32
    %dma_wait3A_9 = tpu.memref_slice %arg5[%add3A, %dma_wait3A_8] : memref<32x16xi32, #tpu.memory_space<hbm>> -> memref<1x16xi32, #tpu.memory_space<hbm>>
    %dma_wait3A_10 = tpu.memref_squeeze %dma_wait3A_9 : memref<1x16xi32, #tpu.memory_space<hbm>> -> memref<16xi32, #tpu.memory_space<hbm>>
    tpu.wait_dma2 semaphore(%arg11 : memref<!tpu.dma_semaphore, #tpu.memory_space<semaphore_mem>>) src(%dma_wait3A_10 : memref<16xi32, #tpu.memory_space<hbm>>) dst(%arg10 : memref<16xi32, #tpu.memory_space<vmem>>)
    tpu.enqueue_dma source(%arg6 : memref<16xi32, #tpu.memory_space<hbm>>) target(%arg9 : memref<16xi32, #tpu.memory_space<vmem>>) target_semaphore(%arg11 : memref<!tpu.dma_semaphore, #tpu.memory_space<semaphore_mem>>)
    tpu.wait_dma2 semaphore(%arg11 : memref<!tpu.dma_semaphore, #tpu.memory_space<semaphore_mem>>) src(%arg6 : memref<16xi32, #tpu.memory_space<hbm>>) dst(%arg9 : memref<16xi32, #tpu.memory_space<vmem>>)
    %get3A = arith.constant 0 : index
    %get3A_11 = tpu.vector_load %arg10[%get3A] {strides = array<i32>} : memref<16xi32, #tpu.memory_space<vmem>>, vector<16xi32>,
    %get3A_12 = vector.shape_cast %get3A_11 : vector<16xi32> to vector<16xi32>
    %get3A_13 = arith.constant 0 : index
    %get3A_14 = tpu.vector_load %arg9[%get3A_13] {strides = array<i32>} : memref<16xi32, #tpu.memory_space<vmem>>, vector<16xi32>,
    %get3A_15 = vector.shape_cast %get3A_14 : vector<16xi32> to vector<16xi32>
    %broadcast_in_dim3A = arith.constant 0.000000e+00 : f32
    %broadcast_in_dim3A_16 = vector.broadcast %broadcast_in_dim3A : f32 to vector<16xf32>
    %swap3A = arith.constant 0 : i32
    %swap3A_17 = arith.index_cast %swap3A : i32 to index
    %swap3A_18 = arith.constant 0 : index
    %swap3A_19 = tpu.vector_load %arg8[%swap3A_17, %swap3A_18] {strides = array<i32>} : memref<2x16xf32, #tpu.memory_space<vmem>>, vector<1x16xf32>,
    %swap3A_20 = vector.shape_cast %swap3A_19 : vector<1x16xf32> to vector<16xf32>
    %swap3A_21 = vector.shape_cast %broadcast_in_dim3A_16 : vector<16xf32> to vector<1x16xf32>
    tpu.vector_store %arg8[%swap3A_17, %swap3A_18], %swap3A_21 {strides = array<i32>} : memref<2x16xf32, #tpu.memory_space<vmem>>, vector<1x16xf32>,
    %broadcast_in_dim3A_22 = arith.constant 0.000000e+00 : f32
    %broadcast_in_dim3A_23 = vector.broadcast %broadcast_in_dim3A_22 : f32 to vector<16xf32>
    %swap3A_24 = arith.constant 1 : i32
    %swap3A_25 = arith.index_cast %swap3A_24 : i32 to index
    %swap3A_26 = arith.constant 0 : index
    %swap3A_27 = tpu.vector_load %arg8[%swap3A_25, %swap3A_26] {strides = array<i32>} : memref<2x16xf32, #tpu.memory_space<vmem>>, vector<1x16xf32>,
    %swap3A_28 = vector.shape_cast %swap3A_27 : vector<1x16xf32> to vector<16xf32>
    %swap3A_29 = vector.shape_cast %broadcast_in_dim3A_23 : vector<16xf32> to vector<1x16xf32>
    tpu.vector_store %arg8[%swap3A_25, %swap3A_26], %swap3A_29 {strides = array<i32>} : memref<2x16xf32, #tpu.memory_space<vmem>>, vector<1x16xf32>,
    %mul3A_30 = arith.constant 40 : i32
    %mul3A_31 = arith.muli %add3A, %mul3A_30 : i32
    "tpu.region"() ({
      %run_scoped3A = memref.alloca() : memref<2x8x800xf32, #tpu.memory_space<vmem>>
      %run_scoped3A_48 = tpu.sem_alloc : memref<2x!tpu.dma_semaphore, #tpu.memory_space<semaphore_mem>>
      %run_scoped3A_49 = memref.alloca() : memref<2x8x800xf32, #tpu.memory_space<vmem>>
      %run_scoped3A_50 = tpu.sem_alloc : memref<2x!tpu.dma_semaphore, #tpu.memory_space<semaphore_mem>>
      %run_scoped3A_51 = memref.alloca() : memref<2x8x800xf32, #tpu.memory_space<vmem>>
      %run_scoped3A_52 = tpu.sem_alloc : memref<2x!tpu.dma_semaphore, #tpu.memory_space<semaphore_mem>>
      %select_n3A = arith.constant true
      %select_n3A_53 = arith.constant 0 : i32
      %select_n3A_54 = arith.constant -1 : i32
      %select_n3A_55 = arith.select %select_n3A, %select_n3A_54, %select_n3A_53 : i32
      %eq3A = arith.constant -1 : i32
      %eq3A_56 = arith.cmpi eq, %select_n3A_55, %eq3A : i32
      %select_n3A_57 = arith.constant 4 : i32
      %select_n3A_58 = arith.select %eq3A_56, %select_n3A_57, %select_n3A_55 : i32
      %add3A_59 = arith.constant 0 : i32
      %add3A_60 = arith.addi %select_n3A_58, %add3A_59 : i32
      %select_n3A_61 = arith.constant true
      %select_n3A_62 = arith.constant 0 : i32
      %select_n3A_63 = arith.constant 1 : i32
      %select_n3A_64 = arith.select %select_n3A_61, %select_n3A_63, %select_n3A_62 : i32
      %eq3A_65 = arith.constant 5 : i32
      %eq3A_66 = arith.cmpi eq, %select_n3A_64, %eq3A_65 : i32
      %select_n3A_67 = arith.constant 0 : i32
      %select_n3A_68 = arith.select %eq3A_66, %select_n3A_67, %select_n3A_64 : i32
      %add3A_69 = arith.constant 0 : i32
      %add3A_70 = arith.addi %select_n3A_68, %add3A_69 : i32
      %add3A_71 = arith.constant 1 : i32
      %add3A_72 = arith.addi %select_n3A_68, %add3A_71 : i32
      %select_n3A_73 = arith.constant true
      %select_n3A_74 = arith.select %select_n3A_73, %add3A_72, %select_n3A_68 : i32
      %eq3A_75 = arith.constant 5 : i32
      %eq3A_76 = arith.cmpi eq, %select_n3A_74, %eq3A_75 : i32
      %select_n3A_77 = arith.constant 0 : i32
      %select_n3A_78 = arith.select %eq3A_76, %select_n3A_77, %select_n3A_74 : i32
      %add3A_79 = arith.constant 0 : i32
      %add3A_80 = arith.addi %select_n3A_78, %add3A_79 : i32
      "tpu.trace_start"() <{level = 10 : i32, message = "ep_initialize_0"}> : () -> ()
      %rem3A = arith.constant 0 : i32
      %rem3A_81 = arith.constant 2 : i32
      %rem3A_82 = arith.remui %rem3A, %rem3A_81 : i32
      %dma_start3A_83 = arith.constant 0 : i32
      %dma_start3A_84 = arith.constant 0 : i32
      %dma_start3A_85 = tpu.memref_slice %run_scoped3A[%rem3A_82, %dma_start3A_83, %dma_start3A_84] : memref<2x8x800xf32, #tpu.memory_space<vmem>> -> memref<1x8x800xf32, #tpu.memory_space<vmem>>
      %dma_start3A_86 = tpu.memref_squeeze %dma_start3A_85 : memref<1x8x800xf32, #tpu.memory_space<vmem>> -> memref<8x800xf32, #tpu.memory_space<vmem>>
      %dma_start3A_87 = arith.constant 0 : i32
      %dma_start3A_88 = tpu.memref_slice %arg2[%mul3A_31, %dma_start3A_87] : memref<2560x800xf32, #tpu.memory_space<hbm>> -> memref<40x800xf32, #tpu.memory_space<hbm>>
      %dma_start3A_89 = arith.constant 0 : i32
      %dma_start3A_90 = arith.constant 0 : i32
      %dma_start3A_91 = tpu.memref_slice %dma_start3A_88[%dma_start3A_89, %dma_start3A_90] : memref<40x800xf32, #tpu.memory_space<hbm>> -> memref<8x800xf32, #tpu.memory_space<hbm>>
      %dma_start3A_92 = tpu.memref_slice %run_scoped3A_48[%rem3A_82] : memref<2x!tpu.dma_semaphore, #tpu.memory_space<semaphore_mem>> -> memref<1x!tpu.dma_semaphore, #tpu.memory_space<semaphore_mem>>
      %dma_start3A_93 = tpu.memref_squeeze %dma_start3A_92 : memref<1x!tpu.dma_semaphore, #tpu.memory_space<semaphore_mem>> -> memref<!tpu.dma_semaphore, #tpu.memory_space<semaphore_mem>>
      %dma_start3A_94 = arith.constant 0 : i32
      %dma_start3A_95 = arith.constant 0 : i32
      %dma_start3A_96 = tpu.memref_slice %run_scoped3A[%rem3A_82, %dma_start3A_94, %dma_start3A_95] : memref<2x8x800xf32, #tpu.memory_space<vmem>> -> memref<1x8x800xf32, #tpu.memory_space<vmem>>
      %dma_start3A_97 = tpu.memref_squeeze %dma_start3A_96 : memref<1x8x800xf32, #tpu.memory_space<vmem>> -> memref<8x800xf32, #tpu.memory_space<vmem>>
      %dma_start3A_98 = arith.constant 0 : i32
      %dma_start3A_99 = tpu.memref_slice %arg2[%mul3A_31, %dma_start3A_98] : memref<2560x800xf32, #tpu.memory_space<hbm>> -> memref<40x800xf32, #tpu.memory_space<hbm>>
      %dma_start3A_100 = arith.constant 0 : i32
      %dma_start3A_101 = arith.constant 0 : i32
      %dma_start3A_102 = tpu.memref_slice %dma_start3A_99[%dma_start3A_100, %dma_start3A_101] : memref<40x800xf32, #tpu.memory_space<hbm>> -> memref<8x800xf32, #tpu.memory_space<hbm>>
      tpu.enqueue_dma source(%dma_start3A_102 : memref<8x800xf32, #tpu.memory_space<hbm>>) target(%dma_start3A_97 : memref<8x800xf32, #tpu.memory_space<vmem>>) target_semaphore(%dma_start3A_93 : memref<!tpu.dma_semaphore, #tpu.memory_space<semaphore_mem>>)
      %add3A_103 = arith.constant 0 : i32
      %add3A_104 = arith.constant 1 : i32
      %add3A_105 = arith.addi %add3A_103, %add3A_104 : i32
      %select_n3A_106 = arith.constant true
      %select_n3A_107 = arith.constant 0 : i32
      %select_n3A_108 = arith.select %select_n3A_106, %add3A_105, %select_n3A_107 : i32
      %rem3A_109 = arith.constant 0 : i32
      %rem3A_110 = arith.constant 2 : i32
      %rem3A_111 = arith.remui %rem3A_109, %rem3A_110 : i32
      %dma_start3A_112 = arith.constant 0 : i32
      %dma_start3A_113 = arith.constant 0 : i32
      %dma_start3A_114 = tpu.memref_slice %run_scoped3A_49[%rem3A_111, %dma_start3A_112, %dma_start3A_113] : memref<2x8x800xf32, #tpu.memory_space<vmem>> -> memref<1x8x800xf32, #tpu.memory_space<vmem>>
      %dma_start3A_115 = tpu.memref_squeeze %dma_start3A_114 : memref<1x8x800xf32, #tpu.memory_space<vmem>> -> memref<8x800xf32, #tpu.memory_space<vmem>>
      %dma_start3A_116 = arith.constant 0 : i32
      %dma_start3A_117 = tpu.memref_slice %arg3[%mul3A_31, %dma_start3A_116] : memref<2560x800xf32, #tpu.memory_space<hbm>> -> memref<40x800xf32, #tpu.memory_space<hbm>>
      %dma_start3A_118 = arith.constant 0 : i32
      %dma_start3A_119 = arith.constant 0 : i32
      %dma_start3A_120 = tpu.memref_slice %dma_start3A_117[%dma_start3A_118, %dma_start3A_119] : memref<40x800xf32, #tpu.memory_space<hbm>> -> memref<8x800xf32, #tpu.memory_space<hbm>>
      %dma_start3A_121 = tpu.memref_slice %run_scoped3A_50[%rem3A_111] : memref<2x!tpu.dma_semaphore, #tpu.memory_space<semaphore_mem>> -> memref<1x!tpu.dma_semaphore, #tpu.memory_space<semaphore_mem>>
      %dma_start3A_122 = tpu.memref_squeeze %dma_start3A_121 : memref<1x!tpu.dma_semaphore, #tpu.memory_space<semaphore_mem>> -> memref<!tpu.dma_semaphore, #tpu.memory_space<semaphore_mem>>
      %dma_start3A_123 = arith.constant 0 : i32
      %dma_start3A_124 = arith.constant 0 : i32
      %dma_start3A_125 = tpu.memref_slice %run_scoped3A_49[%rem3A_111, %dma_start3A_123, %dma_start3A_124] : memref<2x8x800xf32, #tpu.memory_space<vmem>> -> memref<1x8x800xf32, #tpu.memory_space<vmem>>
      %dma_start3A_126 = tpu.memref_squeeze %dma_start3A_125 : memref<1x8x800xf32, #tpu.memory_space<vmem>> -> memref<8x800xf32, #tpu.memory_space<vmem>>
      %dma_start3A_127 = arith.constant 0 : i32
      %dma_start3A_128 = tpu.memref_slice %arg3[%mul3A_31, %dma_start3A_127] : memref<2560x800xf32, #tpu.memory_space<hbm>> -> memref<40x800xf32, #tpu.memory_space<hbm>>
      %dma_start3A_129 = arith.constant 0 : i32
      %dma_start3A_130 = arith.constant 0 : i32
      %dma_start3A_131 = tpu.memref_slice %dma_start3A_128[%dma_start3A_129, %dma_start3A_130] : memref<40x800xf32, #tpu.memory_space<hbm>> -> memref<8x800xf32, #tpu.memory_space<hbm>>
      tpu.enqueue_dma source(%dma_start3A_131 : memref<8x800xf32, #tpu.memory_space<hbm>>) target(%dma_start3A_126 : memref<8x800xf32, #tpu.memory_space<vmem>>) target_semaphore(%dma_start3A_122 : memref<!tpu.dma_semaphore, #tpu.memory_space<semaphore_mem>>)
      %add3A_132 = arith.constant 0 : i32
      %add3A_133 = arith.constant 1 : i32
      %add3A_134 = arith.addi %add3A_132, %add3A_133 : i32
      %select_n3A_135 = arith.constant true
      %select_n3A_136 = arith.constant 0 : i32
      %select_n3A_137 = arith.select %select_n3A_135, %add3A_134, %select_n3A_136 : i32
      %rem3A_138 = arith.constant 0 : i32
      %rem3A_139 = arith.constant 2 : i32
      %rem3A_140 = arith.remui %rem3A_138, %rem3A_139 : i32
      %dma_start3A_141 = arith.constant 0 : i32
      %dma_start3A_142 = arith.constant 0 : i32
      %dma_start3A_143 = tpu.memref_slice %run_scoped3A_51[%rem3A_140, %dma_start3A_141, %dma_start3A_142] : memref<2x8x800xf32, #tpu.memory_space<vmem>> -> memref<1x8x800xf32, #tpu.memory_space<vmem>>
      %dma_start3A_144 = tpu.memref_squeeze %dma_start3A_143 : memref<1x8x800xf32, #tpu.memory_space<vmem>> -> memref<8x800xf32, #tpu.memory_space<vmem>>
      %dma_start3A_145 = arith.constant 0 : i32
      %dma_start3A_146 = tpu.memref_slice %arg4[%mul3A_31, %dma_start3A_145] : memref<2560x800xf32, #tpu.memory_space<hbm>> -> memref<40x800xf32, #tpu.memory_space<hbm>>
      %dma_start3A_147 = arith.constant 0 : i32
      %dma_start3A_148 = arith.constant 0 : i32
      %dma_start3A_149 = tpu.memref_slice %dma_start3A_146[%dma_start3A_147, %dma_start3A_148] : memref<40x800xf32, #tpu.memory_space<hbm>> -> memref<8x800xf32, #tpu.memory_space<hbm>>
      %dma_start3A_150 = tpu.memref_slice %run_scoped3A_52[%rem3A_140] : memref<2x!tpu.dma_semaphore, #tpu.memory_space<semaphore_mem>> -> memref<1x!tpu.dma_semaphore, #tpu.memory_space<semaphore_mem>>
      %dma_start3A_151 = tpu.memref_squeeze %dma_start3A_150 : memref<1x!tpu.dma_semaphore, #tpu.memory_space<semaphore_mem>> -> memref<!tpu.dma_semaphore, #tpu.memory_space<semaphore_mem>>
      %dma_start3A_152 = arith.constant 0 : i32
      %dma_start3A_153 = arith.constant 0 : i32
      %dma_start3A_154 = tpu.memref_slice %run_scoped3A_51[%rem3A_140, %dma_start3A_152, %dma_start3A_153] : memref<2x8x800xf32, #tpu.memory_space<vmem>> -> memref<1x8x800xf32, #tpu.memory_space<vmem>>
      %dma_start3A_155 = tpu.memref_squeeze %dma_start3A_154 : memref<1x8x800xf32, #tpu.memory_space<vmem>> -> memref<8x800xf32, #tpu.memory_space<vmem>>
      %dma_start3A_156 = arith.constant 0 : i32
      %dma_start3A_157 = tpu.memref_slice %arg4[%mul3A_31, %dma_start3A_156] : memref<2560x800xf32, #tpu.memory_space<hbm>> -> memref<40x800xf32, #tpu.memory_space<hbm>>
      %dma_start3A_158 = arith.constant 0 : i32
      %dma_start3A_159 = arith.constant 0 : i32
      %dma_start3A_160 = tpu.memref_slice %dma_start3A_157[%dma_start3A_158, %dma_start3A_159] : memref<40x800xf32, #tpu.memory_space<hbm>> -> memref<8x800xf32, #tpu.memory_space<hbm>>
      tpu.enqueue_dma source(%dma_start3A_160 : memref<8x800xf32, #tpu.memory_space<hbm>>) target(%dma_start3A_155 : memref<8x800xf32, #tpu.memory_space<vmem>>) target_semaphore(%dma_start3A_151 : memref<!tpu.dma_semaphore, #tpu.memory_space<semaphore_mem>>)
      %add3A_161 = arith.constant 0 : i32
      %add3A_162 = arith.constant 1 : i32
      %add3A_163 = arith.addi %add3A_161, %add3A_162 : i32
      %select_n3A_164 = arith.constant true
      %select_n3A_165 = arith.constant 0 : i32
      %select_n3A_166 = arith.select %select_n3A_164, %add3A_163, %select_n3A_165 : i32
      "tpu.trace_stop"() : () -> ()
      %scan3A = arith.constant 0 : i32
      %scan3A_167 = arith.constant 0 : i32
      %scan3A_168 = arith.constant 0 : i32
      %scan3A_169 = arith.constant 0 : i32
      %scan3A_170 = arith.constant 0 : i32
      %scan3A_171 = arith.constant 5 : i32
      %scan3A_172 = arith.addi %scan3A_170, %scan3A_171 : i32
      %scan3A_173 = arith.constant 1 : i32
      %scan3A_174:7 = scf.for %scan3A_215 = %scan3A_170 to %scan3A_172 step %scan3A_173 iter_args(%scan3A_216 = %select_n3A_108, %scan3A_217 = %scan3A, %scan3A_218 = %select_n3A_137, %scan3A_219 = %scan3A_167, %scan3A_220 = %select_n3A_166, %scan3A_221 = %scan3A_168, %scan3A_222 = %scan3A_169) -> (i32, i32, i32, i32, i32, i32, i32)  : i32 {
        %eq3A_223 = arith.constant 0 : i32
        %eq3A_224 = arith.cmpi eq, %scan3A_215, %eq3A_223 : i32
        %eq3A_225 = arith.constant 4 : i32
        %eq3A_226 = arith.cmpi eq, %scan3A_215, %eq3A_225 : i32
        %add3A_227 = arith.constant 0 : i32
        %add3A_228 = arith.addi %scan3A_222, %add3A_227 : i32
        %sub3A_229 = arith.constant 1 : i32
        %sub3A_230 = arith.subi %scan3A_222, %sub3A_229 : i32
        %select_n3A_231 = arith.constant true
        %select_n3A_232 = arith.select %select_n3A_231, %sub3A_230, %scan3A_222 : i32
        %eq3A_233 = arith.constant -1 : i32
        %eq3A_234 = arith.cmpi eq, %select_n3A_232, %eq3A_233 : i32
        %select_n3A_235 = arith.constant 4 : i32
        %select_n3A_236 = arith.select %eq3A_234, %select_n3A_235, %select_n3A_232 : i32
        %add3A_237 = arith.constant 0 : i32
        %add3A_238 = arith.addi %select_n3A_236, %add3A_237 : i32
        %add3A_239 = arith.constant 1 : i32
        %add3A_240 = arith.addi %scan3A_222, %add3A_239 : i32
        %select_n3A_241 = arith.constant true
        %select_n3A_242 = arith.select %select_n3A_241, %add3A_240, %scan3A_222 : i32
        %eq3A_243 = arith.constant 5 : i32
        %eq3A_244 = arith.cmpi eq, %select_n3A_242, %eq3A_243 : i32
        %select_n3A_245 = arith.constant 0 : i32
        %select_n3A_246 = arith.select %eq3A_244, %select_n3A_245, %select_n3A_242 : i32
        %add3A_247 = arith.constant 0 : i32
        %add3A_248 = arith.addi %select_n3A_246, %add3A_247 : i32
        %add3A_249 = arith.constant 1 : i32
        %add3A_250 = arith.addi %select_n3A_246, %add3A_249 : i32
        %select_n3A_251 = arith.constant true
        %select_n3A_252 = arith.select %select_n3A_251, %add3A_250, %select_n3A_246 : i32
        %eq3A_253 = arith.constant 5 : i32
        %eq3A_254 = arith.cmpi eq, %select_n3A_252, %eq3A_253 : i32
        %select_n3A_255 = arith.constant 0 : i32
        %select_n3A_256 = arith.select %eq3A_254, %select_n3A_255, %select_n3A_252 : i32
        %add3A_257 = arith.constant 0 : i32
        %add3A_258 = arith.addi %select_n3A_256, %add3A_257 : i32
        %ne3A = arith.cmpi ne, %add3A_228, %add3A_248 : i32
        %or3A = arith.constant false
        %or3A_259 = arith.ori %or3A, %ne3A : i1
        %or3A_260 = arith.constant false
        %or3A_261 = arith.ori %or3A_259, %or3A_260 : i1
        %ge3A = arith.constant 4 : i32
        %ge3A_262 = arith.cmpi sge, %scan3A_215, %ge3A : i32
        %not3A = arith.constant true
        %not3A_263 = arith.xori %ge3A_262, %not3A : i1
        %and3A = arith.andi %or3A_261, %not3A_263 : i1
        %convert_element_type3A = arith.extui %and3A : i1 to i32
        %cond3A = arith.constant 0 : i32
        %cond3A_264 = arith.cmpi ne, %convert_element_type3A, %cond3A : i32
        scf.if %cond3A_264 {
          "tpu.trace_start"() <{level = 10 : i32, message = "ep_copy_in"}> : () -> ()
          %rem3A_474 = arith.constant 2 : i32
          %rem3A_475 = arith.remui %scan3A_216, %rem3A_474 : i32
          %mul3A_476 = arith.constant 8 : i32
          %mul3A_477 = arith.muli %mul3A_476, %add3A_248 : i32
          %dma_start3A_478 = arith.constant 0 : i32
          %dma_start3A_479 = arith.constant 0 : i32
          %dma_start3A_480 = tpu.memref_slice %run_scoped3A[%rem3A_475, %dma_start3A_478, %dma_start3A_479] : memref<2x8x800xf32, #tpu.memory_space<vmem>> -> memref<1x8x800xf32, #tpu.memory_space<vmem>>
          %dma_start3A_481 = tpu.memref_squeeze %dma_start3A_480 : memref<1x8x800xf32, #tpu.memory_space<vmem>> -> memref<8x800xf32, #tpu.memory_space<vmem>>
          %dma_start3A_482 = arith.constant 0 : i32
          %dma_start3A_483 = tpu.memref_slice %arg2[%mul3A_31, %dma_start3A_482] : memref<2560x800xf32, #tpu.memory_space<hbm>> -> memref<40x800xf32, #tpu.memory_space<hbm>>
          %dma_start3A_484 = arith.constant 0 : i32
          %dma_start3A_485 = tpu.memref_slice %dma_start3A_483[%mul3A_477, %dma_start3A_484] : memref<40x800xf32, #tpu.memory_space<hbm>> -> memref<8x800xf32, #tpu.memory_space<hbm>>
          %dma_start3A_486 = tpu.memref_slice %run_scoped3A_48[%rem3A_475] : memref<2x!tpu.dma_semaphore, #tpu.memory_space<semaphore_mem>> -> memref<1x!tpu.dma_semaphore, #tpu.memory_space<semaphore_mem>>
          %dma_start3A_487 = tpu.memref_squeeze %dma_start3A_486 : memref<1x!tpu.dma_semaphore, #tpu.memory_space<semaphore_mem>> -> memref<!tpu.dma_semaphore, #tpu.memory_space<semaphore_mem>>
          %dma_start3A_488 = arith.constant 0 : i32
          %dma_start3A_489 = arith.constant 0 : i32
          %dma_start3A_490 = tpu.memref_slice %run_scoped3A[%rem3A_475, %dma_start3A_488, %dma_start3A_489] : memref<2x8x800xf32, #tpu.memory_space<vmem>> -> memref<1x8x800xf32, #tpu.memory_space<vmem>>
          %dma_start3A_491 = tpu.memref_squeeze %dma_start3A_490 : memref<1x8x800xf32, #tpu.memory_space<vmem>> -> memref<8x800xf32, #tpu.memory_space<vmem>>
          %dma_start3A_492 = arith.constant 0 : i32
          %dma_start3A_493 = tpu.memref_slice %arg2[%mul3A_31, %dma_start3A_492] : memref<2560x800xf32, #tpu.memory_space<hbm>> -> memref<40x800xf32, #tpu.memory_space<hbm>>
          %dma_start3A_494 = arith.constant 0 : i32
          %dma_start3A_495 = tpu.memref_slice %dma_start3A_493[%mul3A_477, %dma_start3A_494] : memref<40x800xf32, #tpu.memory_space<hbm>> -> memref<8x800xf32, #tpu.memory_space<hbm>>
          tpu.enqueue_dma source(%dma_start3A_495 : memref<8x800xf32, #tpu.memory_space<hbm>>) target(%dma_start3A_491 : memref<8x800xf32, #tpu.memory_space<vmem>>) target_semaphore(%dma_start3A_487 : memref<!tpu.dma_semaphore, #tpu.memory_space<semaphore_mem>>)
          "tpu.trace_stop"() : () -> ()
        } else {
        }
        %and3A_265 = arith.constant true
        %and3A_266 = arith.andi %and3A, %and3A_265 : i1
        %add3A_267 = arith.constant 1 : i32
        %add3A_268 = arith.addi %scan3A_216, %add3A_267 : i32
        %select_n3A_269 = arith.select %and3A_266, %add3A_268, %scan3A_216 : i32
        %ne3A_270 = arith.cmpi ne, %add3A_228, %add3A_248 : i32
        %or3A_271 = arith.constant false
        %or3A_272 = arith.ori %or3A_271, %ne3A_270 : i1
        %or3A_273 = arith.constant false
        %or3A_274 = arith.ori %or3A_272, %or3A_273 : i1
        %ge3A_275 = arith.constant 4 : i32
        %ge3A_276 = arith.cmpi sge, %scan3A_215, %ge3A_275 : i32
        %not3A_277 = arith.constant true
        %not3A_278 = arith.xori %ge3A_276, %not3A_277 : i1
        %and3A_279 = arith.andi %or3A_274, %not3A_278 : i1
        %convert_element_type3A_280 = arith.extui %and3A_279 : i1 to i32
        %cond3A_281 = arith.constant 0 : i32
        %cond3A_282 = arith.cmpi ne, %convert_element_type3A_280, %cond3A_281 : i32
        scf.if %cond3A_282 {
          "tpu.trace_start"() <{level = 10 : i32, message = "ep_copy_in"}> : () -> ()
          %rem3A_474 = arith.constant 2 : i32
          %rem3A_475 = arith.remui %scan3A_218, %rem3A_474 : i32
          %mul3A_476 = arith.constant 8 : i32
          %mul3A_477 = arith.muli %mul3A_476, %add3A_248 : i32
          %dma_start3A_478 = arith.constant 0 : i32
          %dma_start3A_479 = arith.constant 0 : i32
          %dma_start3A_480 = tpu.memref_slice %run_scoped3A_49[%rem3A_475, %dma_start3A_478, %dma_start3A_479] : memref<2x8x800xf32, #tpu.memory_space<vmem>> -> memref<1x8x800xf32, #tpu.memory_space<vmem>>
          %dma_start3A_481 = tpu.memref_squeeze %dma_start3A_480 : memref<1x8x800xf32, #tpu.memory_space<vmem>> -> memref<8x800xf32, #tpu.memory_space<vmem>>
          %dma_start3A_482 = arith.constant 0 : i32
          %dma_start3A_483 = tpu.memref_slice %arg3[%mul3A_31, %dma_start3A_482] : memref<2560x800xf32, #tpu.memory_space<hbm>> -> memref<40x800xf32, #tpu.memory_space<hbm>>
          %dma_start3A_484 = arith.constant 0 : i32
          %dma_start3A_485 = tpu.memref_slice %dma_start3A_483[%mul3A_477, %dma_start3A_484] : memref<40x800xf32, #tpu.memory_space<hbm>> -> memref<8x800xf32, #tpu.memory_space<hbm>>
          %dma_start3A_486 = tpu.memref_slice %run_scoped3A_50[%rem3A_475] : memref<2x!tpu.dma_semaphore, #tpu.memory_space<semaphore_mem>> -> memref<1x!tpu.dma_semaphore, #tpu.memory_space<semaphore_mem>>
          %dma_start3A_487 = tpu.memref_squeeze %dma_start3A_486 : memref<1x!tpu.dma_semaphore, #tpu.memory_space<semaphore_mem>> -> memref<!tpu.dma_semaphore, #tpu.memory_space<semaphore_mem>>
          %dma_start3A_488 = arith.constant 0 : i32
          %dma_start3A_489 = arith.constant 0 : i32
          %dma_start3A_490 = tpu.memref_slice %run_scoped3A_49[%rem3A_475, %dma_start3A_488, %dma_start3A_489] : memref<2x8x800xf32, #tpu.memory_space<vmem>> -> memref<1x8x800xf32, #tpu.memory_space<vmem>>
          %dma_start3A_491 = tpu.memref_squeeze %dma_start3A_490 : memref<1x8x800xf32, #tpu.memory_space<vmem>> -> memref<8x800xf32, #tpu.memory_space<vmem>>
          %dma_start3A_492 = arith.constant 0 : i32
          %dma_start3A_493 = tpu.memref_slice %arg3[%mul3A_31, %dma_start3A_492] : memref<2560x800xf32, #tpu.memory_space<hbm>> -> memref<40x800xf32, #tpu.memory_space<hbm>>
          %dma_start3A_494 = arith.constant 0 : i32
          %dma_start3A_495 = tpu.memref_slice %dma_start3A_493[%mul3A_477, %dma_start3A_494] : memref<40x800xf32, #tpu.memory_space<hbm>> -> memref<8x800xf32, #tpu.memory_space<hbm>>
          tpu.enqueue_dma source(%dma_start3A_495 : memref<8x800xf32, #tpu.memory_space<hbm>>) target(%dma_start3A_491 : memref<8x800xf32, #tpu.memory_space<vmem>>) target_semaphore(%dma_start3A_487 : memref<!tpu.dma_semaphore, #tpu.memory_space<semaphore_mem>>)
          "tpu.trace_stop"() : () -> ()
        } else {
        }
        %and3A_283 = arith.constant true
        %and3A_284 = arith.andi %and3A_279, %and3A_283 : i1
        %add3A_285 = arith.constant 1 : i32
        %add3A_286 = arith.addi %scan3A_218, %add3A_285 : i32
        %select_n3A_287 = arith.select %and3A_284, %add3A_286, %scan3A_218 : i32
        %ne3A_288 = arith.cmpi ne, %add3A_228, %add3A_248 : i32
        %or3A_289 = arith.constant false
        %or3A_290 = arith.ori %or3A_289, %ne3A_288 : i1
        %or3A_291 = arith.constant false
        %or3A_292 = arith.ori %or3A_290, %or3A_291 : i1
        %ge3A_293 = arith.constant 4 : i32
        %ge3A_294 = arith.cmpi sge, %scan3A_215, %ge3A_293 : i32
        %not3A_295 = arith.constant true
        %not3A_296 = arith.xori %ge3A_294, %not3A_295 : i1
        %and3A_297 = arith.andi %or3A_292, %not3A_296 : i1
        %convert_element_type3A_298 = arith.extui %and3A_297 : i1 to i32
        %cond3A_299 = arith.constant 0 : i32
        %cond3A_300 = arith.cmpi ne, %convert_element_type3A_298, %cond3A_299 : i32
        scf.if %cond3A_300 {
          "tpu.trace_start"() <{level = 10 : i32, message = "ep_copy_in"}> : () -> ()
          %rem3A_474 = arith.constant 2 : i32
          %rem3A_475 = arith.remui %scan3A_220, %rem3A_474 : i32
          %mul3A_476 = arith.constant 8 : i32
          %mul3A_477 = arith.muli %mul3A_476, %add3A_248 : i32
          %dma_start3A_478 = arith.constant 0 : i32
          %dma_start3A_479 = arith.constant 0 : i32
          %dma_start3A_480 = tpu.memref_slice %run_scoped3A_51[%rem3A_475, %dma_start3A_478, %dma_start3A_479] : memref<2x8x800xf32, #tpu.memory_space<vmem>> -> memref<1x8x800xf32, #tpu.memory_space<vmem>>
          %dma_start3A_481 = tpu.memref_squeeze %dma_start3A_480 : memref<1x8x800xf32, #tpu.memory_space<vmem>> -> memref<8x800xf32, #tpu.memory_space<vmem>>
          %dma_start3A_482 = arith.constant 0 : i32
          %dma_start3A_483 = tpu.memref_slice %arg4[%mul3A_31, %dma_start3A_482] : memref<2560x800xf32, #tpu.memory_space<hbm>> -> memref<40x800xf32, #tpu.memory_space<hbm>>
          %dma_start3A_484 = arith.constant 0 : i32
          %dma_start3A_485 = tpu.memref_slice %dma_start3A_483[%mul3A_477, %dma_start3A_484] : memref<40x800xf32, #tpu.memory_space<hbm>> -> memref<8x800xf32, #tpu.memory_space<hbm>>
          %dma_start3A_486 = tpu.memref_slice %run_scoped3A_52[%rem3A_475] : memref<2x!tpu.dma_semaphore, #tpu.memory_space<semaphore_mem>> -> memref<1x!tpu.dma_semaphore, #tpu.memory_space<semaphore_mem>>
          %dma_start3A_487 = tpu.memref_squeeze %dma_start3A_486 : memref<1x!tpu.dma_semaphore, #tpu.memory_space<semaphore_mem>> -> memref<!tpu.dma_semaphore, #tpu.memory_space<semaphore_mem>>
          %dma_start3A_488 = arith.constant 0 : i32
          %dma_start3A_489 = arith.constant 0 : i32
          %dma_start3A_490 = tpu.memref_slice %run_scoped3A_51[%rem3A_475, %dma_start3A_488, %dma_start3A_489] : memref<2x8x800xf32, #tpu.memory_space<vmem>> -> memref<1x8x800xf32, #tpu.memory_space<vmem>>
          %dma_start3A_491 = tpu.memref_squeeze %dma_start3A_490 : memref<1x8x800xf32, #tpu.memory_space<vmem>> -> memref<8x800xf32, #tpu.memory_space<vmem>>
          %dma_start3A_492 = arith.constant 0 : i32
          %dma_start3A_493 = tpu.memref_slice %arg4[%mul3A_31, %dma_start3A_492] : memref<2560x800xf32, #tpu.memory_space<hbm>> -> memref<40x800xf32, #tpu.memory_space<hbm>>
          %dma_start3A_494 = arith.constant 0 : i32
          %dma_start3A_495 = tpu.memref_slice %dma_start3A_493[%mul3A_477, %dma_start3A_494] : memref<40x800xf32, #tpu.memory_space<hbm>> -> memref<8x800xf32, #tpu.memory_space<hbm>>
          tpu.enqueue_dma source(%dma_start3A_495 : memref<8x800xf32, #tpu.memory_space<hbm>>) target(%dma_start3A_491 : memref<8x800xf32, #tpu.memory_space<vmem>>) target_semaphore(%dma_start3A_487 : memref<!tpu.dma_semaphore, #tpu.memory_space<semaphore_mem>>)
          "tpu.trace_stop"() : () -> ()
        } else {
        }
        %and3A_301 = arith.constant true
        %and3A_302 = arith.andi %and3A_297, %and3A_301 : i1
        %add3A_303 = arith.constant 1 : i32
        %add3A_304 = arith.addi %scan3A_220, %add3A_303 : i32
        %select_n3A_305 = arith.select %and3A_302, %add3A_304, %scan3A_220 : i32
        %ne3A_306 = arith.cmpi ne, %add3A_228, %add3A_238 : i32
        %or3A_307 = arith.constant false
        %or3A_308 = arith.ori %or3A_307, %ne3A_306 : i1
        %or3A_309 = arith.constant false
        %or3A_310 = arith.ori %or3A_308, %or3A_309 : i1
        %or3A_311 = arith.ori %or3A_310, %eq3A_224 : i1
        %convert_element_type3A_312 = arith.extui %or3A_311 : i1 to i32
        %cond3A_313 = arith.constant 0 : i32
        %cond3A_314 = arith.cmpi ne, %convert_element_type3A_312, %cond3A_313 : i32
        scf.if %cond3A_314 {
          "tpu.trace_start"() <{level = 10 : i32, message = "ep_wait_in"}> : () -> ()
          %mul3A_474 = arith.constant 8 : i32
          %mul3A_475 = arith.muli %mul3A_474, %add3A_228 : i32
          %rem3A_476 = arith.constant 2 : i32
          %rem3A_477 = arith.remui %scan3A_217, %rem3A_476 : i32
          %dma_wait3A_478 = arith.constant 0 : i32
          %dma_wait3A_479 = arith.constant 0 : i32
          %dma_wait3A_480 = tpu.memref_slice %run_scoped3A[%rem3A_477, %dma_wait3A_478, %dma_wait3A_479] : memref<2x8x800xf32, #tpu.memory_space<vmem>> -> memref<1x8x800xf32, #tpu.memory_space<vmem>>
          %dma_wait3A_481 = tpu.memref_squeeze %dma_wait3A_480 : memref<1x8x800xf32, #tpu.memory_space<vmem>> -> memref<8x800xf32, #tpu.memory_space<vmem>>
          %dma_wait3A_482 = arith.constant 0 : i32
          %dma_wait3A_483 = tpu.memref_slice %arg2[%mul3A_31, %dma_wait3A_482] : memref<2560x800xf32, #tpu.memory_space<hbm>> -> memref<40x800xf32, #tpu.memory_space<hbm>>
          %dma_wait3A_484 = arith.constant 0 : i32
          %dma_wait3A_485 = tpu.memref_slice %dma_wait3A_483[%mul3A_475, %dma_wait3A_484] : memref<40x800xf32, #tpu.memory_space<hbm>> -> memref<8x800xf32, #tpu.memory_space<hbm>>
          %dma_wait3A_486 = tpu.memref_slice %run_scoped3A_48[%rem3A_477] : memref<2x!tpu.dma_semaphore, #tpu.memory_space<semaphore_mem>> -> memref<1x!tpu.dma_semaphore, #tpu.memory_space<semaphore_mem>>
          %dma_wait3A_487 = tpu.memref_squeeze %dma_wait3A_486 : memref<1x!tpu.dma_semaphore, #tpu.memory_space<semaphore_mem>> -> memref<!tpu.dma_semaphore, #tpu.memory_space<semaphore_mem>>
          %dma_wait3A_488 = arith.constant 0 : i32
          %dma_wait3A_489 = arith.constant 0 : i32
          %dma_wait3A_490 = tpu.memref_slice %run_scoped3A[%rem3A_477, %dma_wait3A_488, %dma_wait3A_489] : memref<2x8x800xf32, #tpu.memory_space<vmem>> -> memref<1x8x800xf32, #tpu.memory_space<vmem>>
          %dma_wait3A_491 = tpu.memref_squeeze %dma_wait3A_490 : memref<1x8x800xf32, #tpu.memory_space<vmem>> -> memref<8x800xf32, #tpu.memory_space<vmem>>
          %dma_wait3A_492 = arith.constant 0 : i32
          %dma_wait3A_493 = tpu.memref_slice %arg2[%mul3A_31, %dma_wait3A_492] : memref<2560x800xf32, #tpu.memory_space<hbm>> -> memref<40x800xf32, #tpu.memory_space<hbm>>
          %dma_wait3A_494 = arith.constant 0 : i32
          %dma_wait3A_495 = tpu.memref_slice %dma_wait3A_493[%mul3A_475, %dma_wait3A_494] : memref<40x800xf32, #tpu.memory_space<hbm>> -> memref<8x800xf32, #tpu.memory_space<hbm>>
          tpu.wait_dma2 semaphore(%dma_wait3A_487 : memref<!tpu.dma_semaphore, #tpu.memory_space<semaphore_mem>>) src(%dma_wait3A_495 : memref<8x800xf32, #tpu.memory_space<hbm>>) dst(%dma_wait3A_491 : memref<8x800xf32, #tpu.memory_space<vmem>>)
          "tpu.trace_stop"() : () -> ()
        } else {
        }
        %ne3A_315 = arith.cmpi ne, %add3A_228, %add3A_238 : i32
        %or3A_316 = arith.constant false
        %or3A_317 = arith.ori %or3A_316, %ne3A_315 : i1
        %or3A_318 = arith.constant false
        %or3A_319 = arith.ori %or3A_317, %or3A_318 : i1
        %or3A_320 = arith.ori %or3A_319, %eq3A_224 : i1
        %convert_element_type3A_321 = arith.extui %or3A_320 : i1 to i32
        %cond3A_322 = arith.constant 0 : i32
        %cond3A_323 = arith.cmpi ne, %convert_element_type3A_321, %cond3A_322 : i32
        scf.if %cond3A_323 {
          "tpu.trace_start"() <{level = 10 : i32, message = "ep_wait_in"}> : () -> ()
          %mul3A_474 = arith.constant 8 : i32
          %mul3A_475 = arith.muli %mul3A_474, %add3A_228 : i32
          %rem3A_476 = arith.constant 2 : i32
          %rem3A_477 = arith.remui %scan3A_219, %rem3A_476 : i32
          %dma_wait3A_478 = arith.constant 0 : i32
          %dma_wait3A_479 = arith.constant 0 : i32
          %dma_wait3A_480 = tpu.memref_slice %run_scoped3A_49[%rem3A_477, %dma_wait3A_478, %dma_wait3A_479] : memref<2x8x800xf32, #tpu.memory_space<vmem>> -> memref<1x8x800xf32, #tpu.memory_space<vmem>>
          %dma_wait3A_481 = tpu.memref_squeeze %dma_wait3A_480 : memref<1x8x800xf32, #tpu.memory_space<vmem>> -> memref<8x800xf32, #tpu.memory_space<vmem>>
          %dma_wait3A_482 = arith.constant 0 : i32
          %dma_wait3A_483 = tpu.memref_slice %arg3[%mul3A_31, %dma_wait3A_482] : memref<2560x800xf32, #tpu.memory_space<hbm>> -> memref<40x800xf32, #tpu.memory_space<hbm>>
          %dma_wait3A_484 = arith.constant 0 : i32
          %dma_wait3A_485 = tpu.memref_slice %dma_wait3A_483[%mul3A_475, %dma_wait3A_484] : memref<40x800xf32, #tpu.memory_space<hbm>> -> memref<8x800xf32, #tpu.memory_space<hbm>>
          %dma_wait3A_486 = tpu.memref_slice %run_scoped3A_50[%rem3A_477] : memref<2x!tpu.dma_semaphore, #tpu.memory_space<semaphore_mem>> -> memref<1x!tpu.dma_semaphore, #tpu.memory_space<semaphore_mem>>
          %dma_wait3A_487 = tpu.memref_squeeze %dma_wait3A_486 : memref<1x!tpu.dma_semaphore, #tpu.memory_space<semaphore_mem>> -> memref<!tpu.dma_semaphore, #tpu.memory_space<semaphore_mem>>
          %dma_wait3A_488 = arith.constant 0 : i32
          %dma_wait3A_489 = arith.constant 0 : i32
          %dma_wait3A_490 = tpu.memref_slice %run_scoped3A_49[%rem3A_477, %dma_wait3A_488, %dma_wait3A_489] : memref<2x8x800xf32, #tpu.memory_space<vmem>> -> memref<1x8x800xf32, #tpu.memory_space<vmem>>
          %dma_wait3A_491 = tpu.memref_squeeze %dma_wait3A_490 : memref<1x8x800xf32, #tpu.memory_space<vmem>> -> memref<8x800xf32, #tpu.memory_space<vmem>>
          %dma_wait3A_492 = arith.constant 0 : i32
          %dma_wait3A_493 = tpu.memref_slice %arg3[%mul3A_31, %dma_wait3A_492] : memref<2560x800xf32, #tpu.memory_space<hbm>> -> memref<40x800xf32, #tpu.memory_space<hbm>>
          %dma_wait3A_494 = arith.constant 0 : i32
          %dma_wait3A_495 = tpu.memref_slice %dma_wait3A_493[%mul3A_475, %dma_wait3A_494] : memref<40x800xf32, #tpu.memory_space<hbm>> -> memref<8x800xf32, #tpu.memory_space<hbm>>
          tpu.wait_dma2 semaphore(%dma_wait3A_487 : memref<!tpu.dma_semaphore, #tpu.memory_space<semaphore_mem>>) src(%dma_wait3A_495 : memref<8x800xf32, #tpu.memory_space<hbm>>) dst(%dma_wait3A_491 : memref<8x800xf32, #tpu.memory_space<vmem>>)
          "tpu.trace_stop"() : () -> ()
        } else {
        }
        %ne3A_324 = arith.cmpi ne, %add3A_228, %add3A_238 : i32
        %or3A_325 = arith.constant false
        %or3A_326 = arith.ori %or3A_325, %ne3A_324 : i1
        %or3A_327 = arith.constant false
        %or3A_328 = arith.ori %or3A_326, %or3A_327 : i1
        %or3A_329 = arith.ori %or3A_328, %eq3A_224 : i1
        %convert_element_type3A_330 = arith.extui %or3A_329 : i1 to i32
        %cond3A_331 = arith.constant 0 : i32
        %cond3A_332 = arith.cmpi ne, %convert_element_type3A_330, %cond3A_331 : i32
        scf.if %cond3A_332 {
          "tpu.trace_start"() <{level = 10 : i32, message = "ep_wait_in"}> : () -> ()
          %mul3A_474 = arith.constant 8 : i32
          %mul3A_475 = arith.muli %mul3A_474, %add3A_228 : i32
          %rem3A_476 = arith.constant 2 : i32
          %rem3A_477 = arith.remui %scan3A_221, %rem3A_476 : i32
          %dma_wait3A_478 = arith.constant 0 : i32
          %dma_wait3A_479 = arith.constant 0 : i32
          %dma_wait3A_480 = tpu.memref_slice %run_scoped3A_51[%rem3A_477, %dma_wait3A_478, %dma_wait3A_479] : memref<2x8x800xf32, #tpu.memory_space<vmem>> -> memref<1x8x800xf32, #tpu.memory_space<vmem>>
          %dma_wait3A_481 = tpu.memref_squeeze %dma_wait3A_480 : memref<1x8x800xf32, #tpu.memory_space<vmem>> -> memref<8x800xf32, #tpu.memory_space<vmem>>
          %dma_wait3A_482 = arith.constant 0 : i32
          %dma_wait3A_483 = tpu.memref_slice %arg4[%mul3A_31, %dma_wait3A_482] : memref<2560x800xf32, #tpu.memory_space<hbm>> -> memref<40x800xf32, #tpu.memory_space<hbm>>
          %dma_wait3A_484 = arith.constant 0 : i32
          %dma_wait3A_485 = tpu.memref_slice %dma_wait3A_483[%mul3A_475, %dma_wait3A_484] : memref<40x800xf32, #tpu.memory_space<hbm>> -> memref<8x800xf32, #tpu.memory_space<hbm>>
          %dma_wait3A_486 = tpu.memref_slice %run_scoped3A_52[%rem3A_477] : memref<2x!tpu.dma_semaphore, #tpu.memory_space<semaphore_mem>> -> memref<1x!tpu.dma_semaphore, #tpu.memory_space<semaphore_mem>>
          %dma_wait3A_487 = tpu.memref_squeeze %dma_wait3A_486 : memref<1x!tpu.dma_semaphore, #tpu.memory_space<semaphore_mem>> -> memref<!tpu.dma_semaphore, #tpu.memory_space<semaphore_mem>>
          %dma_wait3A_488 = arith.constant 0 : i32
          %dma_wait3A_489 = arith.constant 0 : i32
          %dma_wait3A_490 = tpu.memref_slice %run_scoped3A_51[%rem3A_477, %dma_wait3A_488, %dma_wait3A_489] : memref<2x8x800xf32, #tpu.memory_space<vmem>> -> memref<1x8x800xf32, #tpu.memory_space<vmem>>
          %dma_wait3A_491 = tpu.memref_squeeze %dma_wait3A_490 : memref<1x8x800xf32, #tpu.memory_space<vmem>> -> memref<8x800xf32, #tpu.memory_space<vmem>>
          %dma_wait3A_492 = arith.constant 0 : i32
          %dma_wait3A_493 = tpu.memref_slice %arg4[%mul3A_31, %dma_wait3A_492] : memref<2560x800xf32, #tpu.memory_space<hbm>> -> memref<40x800xf32, #tpu.memory_space<hbm>>
          %dma_wait3A_494 = arith.constant 0 : i32
          %dma_wait3A_495 = tpu.memref_slice %dma_wait3A_493[%mul3A_475, %dma_wait3A_494] : memref<40x800xf32, #tpu.memory_space<hbm>> -> memref<8x800xf32, #tpu.memory_space<hbm>>
          tpu.wait_dma2 semaphore(%dma_wait3A_487 : memref<!tpu.dma_semaphore, #tpu.memory_space<semaphore_mem>>) src(%dma_wait3A_495 : memref<8x800xf32, #tpu.memory_space<hbm>>) dst(%dma_wait3A_491 : memref<8x800xf32, #tpu.memory_space<vmem>>)
          "tpu.trace_stop"() : () -> ()
        } else {
        }
        %rem3A_333 = arith.constant 2 : i32
        %rem3A_334 = arith.remui %scan3A_217, %rem3A_333 : i32
        %rem3A_335 = arith.constant 2 : i32
        %rem3A_336 = arith.remui %scan3A_219, %rem3A_335 : i32
        %rem3A_337 = arith.constant 2 : i32
        %rem3A_338 = arith.remui %scan3A_221, %rem3A_337 : i32
        %get3A_339 = arith.constant 0 : i32
        "tpu.trace_start"() <{level = 10 : i32, message = "ep_run_kernel"}> : () -> ()
        %get3A_340 = arith.index_cast %get3A_339 : i32 to index
        %get3A_341 = arith.constant 0 : index
        %get3A_342 = tpu.vector_load %arg8[%get3A_340, %get3A_341] {strides = array<i32>} : memref<2x16xf32, #tpu.memory_space<vmem>>, vector<1x16xf32>,
        %get3A_343 = vector.shape_cast %get3A_342 : vector<1x16xf32> to vector<16xf32>
        %get3A_344 = arith.constant 1 : i32
        %get3A_345 = arith.index_cast %get3A_344 : i32 to index
        %get3A_346 = arith.constant 0 : index
        %get3A_347 = tpu.vector_load %arg8[%get3A_345, %get3A_346] {strides = array<i32>} : memref<2x16xf32, #tpu.memory_space<vmem>>, vector<1x16xf32>,
        %get3A_348 = vector.shape_cast %get3A_347 : vector<1x16xf32> to vector<16xf32>
        %scan3A_349 = arith.constant 0 : i32
        %scan3A_350 = arith.constant 50 : i32
        %scan3A_351 = arith.addi %scan3A_349, %scan3A_350 : i32
        %scan3A_352 = arith.constant 1 : i32
        %scan3A_353:2 = scf.for %scan3A_474 = %scan3A_349 to %scan3A_351 step %scan3A_352 iter_args(%scan3A_475 = %get3A_343, %scan3A_476 = %get3A_348) -> (vector<16xf32>, vector<16xf32>)  : i32 {
          %mul3A_477 = arith.constant 16 : i32
          %mul3A_478 = arith.muli %scan3A_474, %mul3A_477 : i32
          %add3A_479 = vector.broadcast %mul3A_478 : i32 to vector<16xi32>
          %add3A_480 = arith.addi %add3A_479, %get3A_15 : vector<16xi32>
          %lt3A = arith.cmpi slt, %add3A_480, %get3A_12 : vector<16xi32>
          %broadcast_in_dim3A_481 = arith.constant 0.000000e+00 : f32
          %broadcast_in_dim3A_482 = vector.broadcast %broadcast_in_dim3A_481 : f32 to vector<16xf32>
          %get3A_483 = arith.constant 0 : i32
          %get3A_484 = arith.constant 0 : i32
          %get3A_485 = arith.constant 0 : i32
          %get3A_486 = tpu.memref_slice %run_scoped3A_51[%rem3A_338, %get3A_484, %get3A_485] : memref<2x8x800xf32, #tpu.memory_space<vmem>> -> memref<1x8x800xf32, #tpu.memory_space<vmem>>
          %get3A_487 = tpu.memref_squeeze %get3A_486 : memref<1x8x800xf32, #tpu.memory_space<vmem>> -> memref<8x800xf32, #tpu.memory_space<vmem>>
          %get3A_488 = arith.index_cast %get3A_483 : i32 to index
          %get3A_489 = arith.index_cast %mul3A_478 : i32 to index
          %get3A_490 = tpu.vector_load %get3A_487[%get3A_488, %get3A_489] {strides = array<i32>} : memref<8x800xf32, #tpu.memory_space<vmem>>, vector<1x16xf32>,
          %get3A_491 = vector.shape_cast %get3A_490 : vector<1x16xf32> to vector<16xf32>
          %get3A_492 = arith.constant 0 : i32
          %get3A_493 = arith.constant 0 : i32
          %get3A_494 = arith.constant 0 : i32
          %get3A_495 = tpu.memref_slice %run_scoped3A[%rem3A_334, %get3A_493, %get3A_494] : memref<2x8x800xf32, #tpu.memory_space<vmem>> -> memref<1x8x800xf32, #tpu.memory_space<vmem>>
          %get3A_496 = tpu.memref_squeeze %get3A_495 : memref<1x8x800xf32, #tpu.memory_space<vmem>> -> memref<8x800xf32, #tpu.memory_space<vmem>>
          %get3A_497 = arith.index_cast %get3A_492 : i32 to index
          %get3A_498 = arith.index_cast %mul3A_478 : i32 to index
          %get3A_499 = tpu.vector_load %get3A_496[%get3A_497, %get3A_498] {strides = array<i32>} : memref<8x800xf32, #tpu.memory_space<vmem>>, vector<1x16xf32>,
          %get3A_500 = vector.shape_cast %get3A_499 : vector<1x16xf32> to vector<16xf32>
          %sub3A_501 = arith.subf %get3A_500, %get3A_491 : vector<16xf32>
          %abs3A = math.absf %sub3A_501 : vector<16xf32>
          %select_n3A_502 = arith.select %lt3A, %abs3A, %broadcast_in_dim3A_482 : vector<16xi1>, vector<16xf32>
          %add3A_503 = arith.addf %scan3A_475, %select_n3A_502 : vector<16xf32>
          %get3A_504 = arith.constant 0 : i32
          %get3A_505 = arith.constant 0 : i32
          %get3A_506 = arith.constant 0 : i32
          %get3A_507 = tpu.memref_slice %run_scoped3A_49[%rem3A_336, %get3A_505, %get3A_506] : memref<2x8x800xf32, #tpu.memory_space<vmem>> -> memref<1x8x800xf32, #tpu.memory_space<vmem>>
          %get3A_508 = tpu.memref_squeeze %get3A_507 : memref<1x8x800xf32, #tpu.memory_space<vmem>> -> memref<8x800xf32, #tpu.memory_space<vmem>>
          %get3A_509 = arith.index_cast %get3A_504 : i32 to index
          %get3A_510 = arith.index_cast %mul3A_478 : i32 to index
          %get3A_511 = tpu.vector_load %get3A_508[%get3A_509, %get3A_510] {strides = array<i32>} : memref<8x800xf32, #tpu.memory_space<vmem>>, vector<1x16xf32>,
          %get3A_512 = vector.shape_cast %get3A_511 : vector<1x16xf32> to vector<16xf32>
          %sub3A_513 = arith.subf %get3A_512, %get3A_491 : vector<16xf32>
          %abs3A_514 = math.absf %sub3A_513 : vector<16xf32>
          %select_n3A_515 = arith.select %lt3A, %abs3A_514, %broadcast_in_dim3A_482 : vector<16xi1>, vector<16xf32>
          %add3A_516 = arith.addf %scan3A_476, %select_n3A_515 : vector<16xf32>
          %get3A_517 = arith.constant 1 : i32
          %get3A_518 = arith.constant 0 : i32
          %get3A_519 = arith.constant 0 : i32
          %get3A_520 = tpu.memref_slice %run_scoped3A_51[%rem3A_338, %get3A_518, %get3A_519] : memref<2x8x800xf32, #tpu.memory_space<vmem>> -> memref<1x8x800xf32, #tpu.memory_space<vmem>>
          %get3A_521 = tpu.memref_squeeze %get3A_520 : memref<1x8x800xf32, #tpu.memory_space<vmem>> -> memref<8x800xf32, #tpu.memory_space<vmem>>
          %get3A_522 = arith.index_cast %get3A_517 : i32 to index
          %get3A_523 = arith.index_cast %mul3A_478 : i32 to index
          %get3A_524 = tpu.vector_load %get3A_521[%get3A_522, %get3A_523] {strides = array<i32>} : memref<8x800xf32, #tpu.memory_space<vmem>>, vector<1x16xf32>,
          %get3A_525 = vector.shape_cast %get3A_524 : vector<1x16xf32> to vector<16xf32>
          %get3A_526 = arith.constant 1 : i32
          %get3A_527 = arith.constant 0 : i32
          %get3A_528 = arith.constant 0 : i32
          %get3A_529 = tpu.memref_slice %run_scoped3A[%rem3A_334, %get3A_527, %get3A_528] : memref<2x8x800xf32, #tpu.memory_space<vmem>> -> memref<1x8x800xf32, #tpu.memory_space<vmem>>
          %get3A_530 = tpu.memref_squeeze %get3A_529 : memref<1x8x800xf32, #tpu.memory_space<vmem>> -> memref<8x800xf32, #tpu.memory_space<vmem>>
          %get3A_531 = arith.index_cast %get3A_526 : i32 to index
          %get3A_532 = arith.index_cast %mul3A_478 : i32 to index
          %get3A_533 = tpu.vector_load %get3A_530[%get3A_531, %get3A_532] {strides = array<i32>} : memref<8x800xf32, #tpu.memory_space<vmem>>, vector<1x16xf32>,
          %get3A_534 = vector.shape_cast %get3A_533 : vector<1x16xf32> to vector<16xf32>
          %sub3A_535 = arith.subf %get3A_534, %get3A_525 : vector<16xf32>
          %abs3A_536 = math.absf %sub3A_535 : vector<16xf32>
          %select_n3A_537 = arith.select %lt3A, %abs3A_536, %broadcast_in_dim3A_482 : vector<16xi1>, vector<16xf32>
          %add3A_538 = arith.addf %add3A_503, %select_n3A_537 : vector<16xf32>
          %get3A_539 = arith.constant 1 : i32
          %get3A_540 = arith.constant 0 : i32
          %get3A_541 = arith.constant 0 : i32
          %get3A_542 = tpu.memref_slice %run_scoped3A_49[%rem3A_336, %get3A_540, %get3A_541] : memref<2x8x800xf32, #tpu.memory_space<vmem>> -> memref<1x8x800xf32, #tpu.memory_space<vmem>>
          %get3A_543 = tpu.memref_squeeze %get3A_542 : memref<1x8x800xf32, #tpu.memory_space<vmem>> -> memref<8x800xf32, #tpu.memory_space<vmem>>
          %get3A_544 = arith.index_cast %get3A_539 : i32 to index
          %get3A_545 = arith.index_cast %mul3A_478 : i32 to index
          %get3A_546 = tpu.vector_load %get3A_543[%get3A_544, %get3A_545] {strides = array<i32>} : memref<8x800xf32, #tpu.memory_space<vmem>>, vector<1x16xf32>,
          %get3A_547 = vector.shape_cast %get3A_546 : vector<1x16xf32> to vector<16xf32>
          %sub3A_548 = arith.subf %get3A_547, %get3A_525 : vector<16xf32>
          %abs3A_549 = math.absf %sub3A_548 : vector<16xf32>
          %select_n3A_550 = arith.select %lt3A, %abs3A_549, %broadcast_in_dim3A_482 : vector<16xi1>, vector<16xf32>
          %add3A_551 = arith.addf %add3A_516, %select_n3A_550 : vector<16xf32>
          %get3A_552 = arith.constant 2 : i32
          %get3A_553 = arith.constant 0 : i32
          %get3A_554 = arith.constant 0 : i32
          %get3A_555 = tpu.memref_slice %run_scoped3A_51[%rem3A_338, %get3A_553, %get3A_554] : memref<2x8x800xf32, #tpu.memory_space<vmem>> -> memref<1x8x800xf32, #tpu.memory_space<vmem>>
          %get3A_556 = tpu.memref_squeeze %get3A_555 : memref<1x8x800xf32, #tpu.memory_space<vmem>> -> memref<8x800xf32, #tpu.memory_space<vmem>>
          %get3A_557 = arith.index_cast %get3A_552 : i32 to index
          %get3A_558 = arith.index_cast %mul3A_478 : i32 to index
          %get3A_559 = tpu.vector_load %get3A_556[%get3A_557, %get3A_558] {strides = array<i32>} : memref<8x800xf32, #tpu.memory_space<vmem>>, vector<1x16xf32>,
          %get3A_560 = vector.shape_cast %get3A_559 : vector<1x16xf32> to vector<16xf32>
          %get3A_561 = arith.constant 2 : i32
          %get3A_562 = arith.constant 0 : i32
          %get3A_563 = arith.constant 0 : i32
          %get3A_564 = tpu.memref_slice %run_scoped3A[%rem3A_334, %get3A_562, %get3A_563] : memref<2x8x800xf32, #tpu.memory_space<vmem>> -> memref<1x8x800xf32, #tpu.memory_space<vmem>>
          %get3A_565 = tpu.memref_squeeze %get3A_564 : memref<1x8x800xf32, #tpu.memory_space<vmem>> -> memref<8x800xf32, #tpu.memory_space<vmem>>
          %get3A_566 = arith.index_cast %get3A_561 : i32 to index
          %get3A_567 = arith.index_cast %mul3A_478 : i32 to index
          %get3A_568 = tpu.vector_load %get3A_565[%get3A_566, %get3A_567] {strides = array<i32>} : memref<8x800xf32, #tpu.memory_space<vmem>>, vector<1x16xf32>,
          %get3A_569 = vector.shape_cast %get3A_568 : vector<1x16xf32> to vector<16xf32>
          %sub3A_570 = arith.subf %get3A_569, %get3A_560 : vector<16xf32>
          %abs3A_571 = math.absf %sub3A_570 : vector<16xf32>
          %select_n3A_572 = arith.select %lt3A, %abs3A_571, %broadcast_in_dim3A_482 : vector<16xi1>, vector<16xf32>
          %add3A_573 = arith.addf %add3A_538, %select_n3A_572 : vector<16xf32>
          %get3A_574 = arith.constant 2 : i32
          %get3A_575 = arith.constant 0 : i32
          %get3A_576 = arith.constant 0 : i32
          %get3A_577 = tpu.memref_slice %run_scoped3A_49[%rem3A_336, %get3A_575, %get3A_576] : memref<2x8x800xf32, #tpu.memory_space<vmem>> -> memref<1x8x800xf32, #tpu.memory_space<vmem>>
          %get3A_578 = tpu.memref_squeeze %get3A_577 : memref<1x8x800xf32, #tpu.memory_space<vmem>> -> memref<8x800xf32, #tpu.memory_space<vmem>>
          %get3A_579 = arith.index_cast %get3A_574 : i32 to index
          %get3A_580 = arith.index_cast %mul3A_478 : i32 to index
          %get3A_581 = tpu.vector_load %get3A_578[%get3A_579, %get3A_580] {strides = array<i32>} : memref<8x800xf32, #tpu.memory_space<vmem>>, vector<1x16xf32>,
          %get3A_582 = vector.shape_cast %get3A_581 : vector<1x16xf32> to vector<16xf32>
          %sub3A_583 = arith.subf %get3A_582, %get3A_560 : vector<16xf32>
          %abs3A_584 = math.absf %sub3A_583 : vector<16xf32>
          %select_n3A_585 = arith.select %lt3A, %abs3A_584, %broadcast_in_dim3A_482 : vector<16xi1>, vector<16xf32>
          %add3A_586 = arith.addf %add3A_551, %select_n3A_585 : vector<16xf32>
          %get3A_587 = arith.constant 3 : i32
          %get3A_588 = arith.constant 0 : i32
          %get3A_589 = arith.constant 0 : i32
          %get3A_590 = tpu.memref_slice %run_scoped3A_51[%rem3A_338, %get3A_588, %get3A_589] : memref<2x8x800xf32, #tpu.memory_space<vmem>> -> memref<1x8x800xf32, #tpu.memory_space<vmem>>
          %get3A_591 = tpu.memref_squeeze %get3A_590 : memref<1x8x800xf32, #tpu.memory_space<vmem>> -> memref<8x800xf32, #tpu.memory_space<vmem>>
          %get3A_592 = arith.index_cast %get3A_587 : i32 to index
          %get3A_593 = arith.index_cast %mul3A_478 : i32 to index
          %get3A_594 = tpu.vector_load %get3A_591[%get3A_592, %get3A_593] {strides = array<i32>} : memref<8x800xf32, #tpu.memory_space<vmem>>, vector<1x16xf32>,
          %get3A_595 = vector.shape_cast %get3A_594 : vector<1x16xf32> to vector<16xf32>
          %get3A_596 = arith.constant 3 : i32
          %get3A_597 = arith.constant 0 : i32
          %get3A_598 = arith.constant 0 : i32
          %get3A_599 = tpu.memref_slice %run_scoped3A[%rem3A_334, %get3A_597, %get3A_598] : memref<2x8x800xf32, #tpu.memory_space<vmem>> -> memref<1x8x800xf32, #tpu.memory_space<vmem>>
          %get3A_600 = tpu.memref_squeeze %get3A_599 : memref<1x8x800xf32, #tpu.memory_space<vmem>> -> memref<8x800xf32, #tpu.memory_space<vmem>>
          %get3A_601 = arith.index_cast %get3A_596 : i32 to index
          %get3A_602 = arith.index_cast %mul3A_478 : i32 to index
          %get3A_603 = tpu.vector_load %get3A_600[%get3A_601, %get3A_602] {strides = array<i32>} : memref<8x800xf32, #tpu.memory_space<vmem>>, vector<1x16xf32>,
          %get3A_604 = vector.shape_cast %get3A_603 : vector<1x16xf32> to vector<16xf32>
          %sub3A_605 = arith.subf %get3A_604, %get3A_595 : vector<16xf32>
          %abs3A_606 = math.absf %sub3A_605 : vector<16xf32>
          %select_n3A_607 = arith.select %lt3A, %abs3A_606, %broadcast_in_dim3A_482 : vector<16xi1>, vector<16xf32>
          %add3A_608 = arith.addf %add3A_573, %select_n3A_607 : vector<16xf32>
          %get3A_609 = arith.constant 3 : i32
          %get3A_610 = arith.constant 0 : i32
          %get3A_611 = arith.constant 0 : i32
          %get3A_612 = tpu.memref_slice %run_scoped3A_49[%rem3A_336, %get3A_610, %get3A_611] : memref<2x8x800xf32, #tpu.memory_space<vmem>> -> memref<1x8x800xf32, #tpu.memory_space<vmem>>
          %get3A_613 = tpu.memref_squeeze %get3A_612 : memref<1x8x800xf32, #tpu.memory_space<vmem>> -> memref<8x800xf32, #tpu.memory_space<vmem>>
          %get3A_614 = arith.index_cast %get3A_609 : i32 to index
          %get3A_615 = arith.index_cast %mul3A_478 : i32 to index
          %get3A_616 = tpu.vector_load %get3A_613[%get3A_614, %get3A_615] {strides = array<i32>} : memref<8x800xf32, #tpu.memory_space<vmem>>, vector<1x16xf32>,
          %get3A_617 = vector.shape_cast %get3A_616 : vector<1x16xf32> to vector<16xf32>
          %sub3A_618 = arith.subf %get3A_617, %get3A_595 : vector<16xf32>
          %abs3A_619 = math.absf %sub3A_618 : vector<16xf32>
          %select_n3A_620 = arith.select %lt3A, %abs3A_619, %broadcast_in_dim3A_482 : vector<16xi1>, vector<16xf32>
          %add3A_621 = arith.addf %add3A_586, %select_n3A_620 : vector<16xf32>
          %get3A_622 = arith.constant 4 : i32
          %get3A_623 = arith.constant 0 : i32
          %get3A_624 = arith.constant 0 : i32
          %get3A_625 = tpu.memref_slice %run_scoped3A_51[%rem3A_338, %get3A_623, %get3A_624] : memref<2x8x800xf32, #tpu.memory_space<vmem>> -> memref<1x8x800xf32, #tpu.memory_space<vmem>>
          %get3A_626 = tpu.memref_squeeze %get3A_625 : memref<1x8x800xf32, #tpu.memory_space<vmem>> -> memref<8x800xf32, #tpu.memory_space<vmem>>
          %get3A_627 = arith.index_cast %get3A_622 : i32 to index
          %get3A_628 = arith.index_cast %mul3A_478 : i32 to index
          %get3A_629 = tpu.vector_load %get3A_626[%get3A_627, %get3A_628] {strides = array<i32>} : memref<8x800xf32, #tpu.memory_space<vmem>>, vector<1x16xf32>,
          %get3A_630 = vector.shape_cast %get3A_629 : vector<1x16xf32> to vector<16xf32>
          %get3A_631 = arith.constant 4 : i32
          %get3A_632 = arith.constant 0 : i32
          %get3A_633 = arith.constant 0 : i32
          %get3A_634 = tpu.memref_slice %run_scoped3A[%rem3A_334, %get3A_632, %get3A_633] : memref<2x8x800xf32, #tpu.memory_space<vmem>> -> memref<1x8x800xf32, #tpu.memory_space<vmem>>
          %get3A_635 = tpu.memref_squeeze %get3A_634 : memref<1x8x800xf32, #tpu.memory_space<vmem>> -> memref<8x800xf32, #tpu.memory_space<vmem>>
          %get3A_636 = arith.index_cast %get3A_631 : i32 to index
          %get3A_637 = arith.index_cast %mul3A_478 : i32 to index
          %get3A_638 = tpu.vector_load %get3A_635[%get3A_636, %get3A_637] {strides = array<i32>} : memref<8x800xf32, #tpu.memory_space<vmem>>, vector<1x16xf32>,
          %get3A_639 = vector.shape_cast %get3A_638 : vector<1x16xf32> to vector<16xf32>
          %sub3A_640 = arith.subf %get3A_639, %get3A_630 : vector<16xf32>
          %abs3A_641 = math.absf %sub3A_640 : vector<16xf32>
          %select_n3A_642 = arith.select %lt3A, %abs3A_641, %broadcast_in_dim3A_482 : vector<16xi1>, vector<16xf32>
          %add3A_643 = arith.addf %add3A_608, %select_n3A_642 : vector<16xf32>
          %get3A_644 = arith.constant 4 : i32
          %get3A_645 = arith.constant 0 : i32
          %get3A_646 = arith.constant 0 : i32
          %get3A_647 = tpu.memref_slice %run_scoped3A_49[%rem3A_336, %get3A_645, %get3A_646] : memref<2x8x800xf32, #tpu.memory_space<vmem>> -> memref<1x8x800xf32, #tpu.memory_space<vmem>>
          %get3A_648 = tpu.memref_squeeze %get3A_647 : memref<1x8x800xf32, #tpu.memory_space<vmem>> -> memref<8x800xf32, #tpu.memory_space<vmem>>
          %get3A_649 = arith.index_cast %get3A_644 : i32 to index
          %get3A_650 = arith.index_cast %mul3A_478 : i32 to index
          %get3A_651 = tpu.vector_load %get3A_648[%get3A_649, %get3A_650] {strides = array<i32>} : memref<8x800xf32, #tpu.memory_space<vmem>>, vector<1x16xf32>,
          %get3A_652 = vector.shape_cast %get3A_651 : vector<1x16xf32> to vector<16xf32>
          %sub3A_653 = arith.subf %get3A_652, %get3A_630 : vector<16xf32>
          %abs3A_654 = math.absf %sub3A_653 : vector<16xf32>
          %select_n3A_655 = arith.select %lt3A, %abs3A_654, %broadcast_in_dim3A_482 : vector<16xi1>, vector<16xf32>
          %add3A_656 = arith.addf %add3A_621, %select_n3A_655 : vector<16xf32>
          %get3A_657 = arith.constant 5 : i32
          %get3A_658 = arith.constant 0 : i32
          %get3A_659 = arith.constant 0 : i32
          %get3A_660 = tpu.memref_slice %run_scoped3A_51[%rem3A_338, %get3A_658, %get3A_659] : memref<2x8x800xf32, #tpu.memory_space<vmem>> -> memref<1x8x800xf32, #tpu.memory_space<vmem>>
          %get3A_661 = tpu.memref_squeeze %get3A_660 : memref<1x8x800xf32, #tpu.memory_space<vmem>> -> memref<8x800xf32, #tpu.memory_space<vmem>>
          %get3A_662 = arith.index_cast %get3A_657 : i32 to index
          %get3A_663 = arith.index_cast %mul3A_478 : i32 to index
          %get3A_664 = tpu.vector_load %get3A_661[%get3A_662, %get3A_663] {strides = array<i32>} : memref<8x800xf32, #tpu.memory_space<vmem>>, vector<1x16xf32>,
          %get3A_665 = vector.shape_cast %get3A_664 : vector<1x16xf32> to vector<16xf32>
          %get3A_666 = arith.constant 5 : i32
          %get3A_667 = arith.constant 0 : i32
          %get3A_668 = arith.constant 0 : i32
          %get3A_669 = tpu.memref_slice %run_scoped3A[%rem3A_334, %get3A_667, %get3A_668] : memref<2x8x800xf32, #tpu.memory_space<vmem>> -> memref<1x8x800xf32, #tpu.memory_space<vmem>>
          %get3A_670 = tpu.memref_squeeze %get3A_669 : memref<1x8x800xf32, #tpu.memory_space<vmem>> -> memref<8x800xf32, #tpu.memory_space<vmem>>
          %get3A_671 = arith.index_cast %get3A_666 : i32 to index
          %get3A_672 = arith.index_cast %mul3A_478 : i32 to index
          %get3A_673 = tpu.vector_load %get3A_670[%get3A_671, %get3A_672] {strides = array<i32>} : memref<8x800xf32, #tpu.memory_space<vmem>>, vector<1x16xf32>,
          %get3A_674 = vector.shape_cast %get3A_673 : vector<1x16xf32> to vector<16xf32>
          %sub3A_675 = arith.subf %get3A_674, %get3A_665 : vector<16xf32>
          %abs3A_676 = math.absf %sub3A_675 : vector<16xf32>
          %select_n3A_677 = arith.select %lt3A, %abs3A_676, %broadcast_in_dim3A_482 : vector<16xi1>, vector<16xf32>
          %add3A_678 = arith.addf %add3A_643, %select_n3A_677 : vector<16xf32>
          %get3A_679 = arith.constant 5 : i32
          %get3A_680 = arith.constant 0 : i32
          %get3A_681 = arith.constant 0 : i32
          %get3A_682 = tpu.memref_slice %run_scoped3A_49[%rem3A_336, %get3A_680, %get3A_681] : memref<2x8x800xf32, #tpu.memory_space<vmem>> -> memref<1x8x800xf32, #tpu.memory_space<vmem>>
          %get3A_683 = tpu.memref_squeeze %get3A_682 : memref<1x8x800xf32, #tpu.memory_space<vmem>> -> memref<8x800xf32, #tpu.memory_space<vmem>>
          %get3A_684 = arith.index_cast %get3A_679 : i32 to index
          %get3A_685 = arith.index_cast %mul3A_478 : i32 to index
          %get3A_686 = tpu.vector_load %get3A_683[%get3A_684, %get3A_685] {strides = array<i32>} : memref<8x800xf32, #tpu.memory_space<vmem>>, vector<1x16xf32>,
          %get3A_687 = vector.shape_cast %get3A_686 : vector<1x16xf32> to vector<16xf32>
          %sub3A_688 = arith.subf %get3A_687, %get3A_665 : vector<16xf32>
          %abs3A_689 = math.absf %sub3A_688 : vector<16xf32>
          %select_n3A_690 = arith.select %lt3A, %abs3A_689, %broadcast_in_dim3A_482 : vector<16xi1>, vector<16xf32>
          %add3A_691 = arith.addf %add3A_656, %select_n3A_690 : vector<16xf32>
          %get3A_692 = arith.constant 6 : i32
          %get3A_693 = arith.constant 0 : i32
          %get3A_694 = arith.constant 0 : i32
          %get3A_695 = tpu.memref_slice %run_scoped3A_51[%rem3A_338, %get3A_693, %get3A_694] : memref<2x8x800xf32, #tpu.memory_space<vmem>> -> memref<1x8x800xf32, #tpu.memory_space<vmem>>
          %get3A_696 = tpu.memref_squeeze %get3A_695 : memref<1x8x800xf32, #tpu.memory_space<vmem>> -> memref<8x800xf32, #tpu.memory_space<vmem>>
          %get3A_697 = arith.index_cast %get3A_692 : i32 to index
          %get3A_698 = arith.index_cast %mul3A_478 : i32 to index
          %get3A_699 = tpu.vector_load %get3A_696[%get3A_697, %get3A_698] {strides = array<i32>} : memref<8x800xf32, #tpu.memory_space<vmem>>, vector<1x16xf32>,
          %get3A_700 = vector.shape_cast %get3A_699 : vector<1x16xf32> to vector<16xf32>
          %get3A_701 = arith.constant 6 : i32
          %get3A_702 = arith.constant 0 : i32
          %get3A_703 = arith.constant 0 : i32
          %get3A_704 = tpu.memref_slice %run_scoped3A[%rem3A_334, %get3A_702, %get3A_703] : memref<2x8x800xf32, #tpu.memory_space<vmem>> -> memref<1x8x800xf32, #tpu.memory_space<vmem>>
          %get3A_705 = tpu.memref_squeeze %get3A_704 : memref<1x8x800xf32, #tpu.memory_space<vmem>> -> memref<8x800xf32, #tpu.memory_space<vmem>>
          %get3A_706 = arith.index_cast %get3A_701 : i32 to index
          %get3A_707 = arith.index_cast %mul3A_478 : i32 to index
          %get3A_708 = tpu.vector_load %get3A_705[%get3A_706, %get3A_707] {strides = array<i32>} : memref<8x800xf32, #tpu.memory_space<vmem>>, vector<1x16xf32>,
          %get3A_709 = vector.shape_cast %get3A_708 : vector<1x16xf32> to vector<16xf32>
          %sub3A_710 = arith.subf %get3A_709, %get3A_700 : vector<16xf32>
          %abs3A_711 = math.absf %sub3A_710 : vector<16xf32>
          %select_n3A_712 = arith.select %lt3A, %abs3A_711, %broadcast_in_dim3A_482 : vector<16xi1>, vector<16xf32>
          %add3A_713 = arith.addf %add3A_678, %select_n3A_712 : vector<16xf32>
          %get3A_714 = arith.constant 6 : i32
          %get3A_715 = arith.constant 0 : i32
          %get3A_716 = arith.constant 0 : i32
          %get3A_717 = tpu.memref_slice %run_scoped3A_49[%rem3A_336, %get3A_715, %get3A_716] : memref<2x8x800xf32, #tpu.memory_space<vmem>> -> memref<1x8x800xf32, #tpu.memory_space<vmem>>
          %get3A_718 = tpu.memref_squeeze %get3A_717 : memref<1x8x800xf32, #tpu.memory_space<vmem>> -> memref<8x800xf32, #tpu.memory_space<vmem>>
          %get3A_719 = arith.index_cast %get3A_714 : i32 to index
          %get3A_720 = arith.index_cast %mul3A_478 : i32 to index
          %get3A_721 = tpu.vector_load %get3A_718[%get3A_719, %get3A_720] {strides = array<i32>} : memref<8x800xf32, #tpu.memory_space<vmem>>, vector<1x16xf32>,
          %get3A_722 = vector.shape_cast %get3A_721 : vector<1x16xf32> to vector<16xf32>
          %sub3A_723 = arith.subf %get3A_722, %get3A_700 : vector<16xf32>
          %abs3A_724 = math.absf %sub3A_723 : vector<16xf32>
          %select_n3A_725 = arith.select %lt3A, %abs3A_724, %broadcast_in_dim3A_482 : vector<16xi1>, vector<16xf32>
          %add3A_726 = arith.addf %add3A_691, %select_n3A_725 : vector<16xf32>
          %get3A_727 = arith.constant 7 : i32
          %get3A_728 = arith.constant 0 : i32
          %get3A_729 = arith.constant 0 : i32
          %get3A_730 = tpu.memref_slice %run_scoped3A_51[%rem3A_338, %get3A_728, %get3A_729] : memref<2x8x800xf32, #tpu.memory_space<vmem>> -> memref<1x8x800xf32, #tpu.memory_space<vmem>>
          %get3A_731 = tpu.memref_squeeze %get3A_730 : memref<1x8x800xf32, #tpu.memory_space<vmem>> -> memref<8x800xf32, #tpu.memory_space<vmem>>
          %get3A_732 = arith.index_cast %get3A_727 : i32 to index
          %get3A_733 = arith.index_cast %mul3A_478 : i32 to index
          %get3A_734 = tpu.vector_load %get3A_731[%get3A_732, %get3A_733] {strides = array<i32>} : memref<8x800xf32, #tpu.memory_space<vmem>>, vector<1x16xf32>,
          %get3A_735 = vector.shape_cast %get3A_734 : vector<1x16xf32> to vector<16xf32>
          %get3A_736 = arith.constant 7 : i32
          %get3A_737 = arith.constant 0 : i32
          %get3A_738 = arith.constant 0 : i32
          %get3A_739 = tpu.memref_slice %run_scoped3A[%rem3A_334, %get3A_737, %get3A_738] : memref<2x8x800xf32, #tpu.memory_space<vmem>> -> memref<1x8x800xf32, #tpu.memory_space<vmem>>
          %get3A_740 = tpu.memref_squeeze %get3A_739 : memref<1x8x800xf32, #tpu.memory_space<vmem>> -> memref<8x800xf32, #tpu.memory_space<vmem>>
          %get3A_741 = arith.index_cast %get3A_736 : i32 to index
          %get3A_742 = arith.index_cast %mul3A_478 : i32 to index
          %get3A_743 = tpu.vector_load %get3A_740[%get3A_741, %get3A_742] {strides = array<i32>} : memref<8x800xf32, #tpu.memory_space<vmem>>, vector<1x16xf32>,
          %get3A_744 = vector.shape_cast %get3A_743 : vector<1x16xf32> to vector<16xf32>
          %sub3A_745 = arith.subf %get3A_744, %get3A_735 : vector<16xf32>
          %abs3A_746 = math.absf %sub3A_745 : vector<16xf32>
          %select_n3A_747 = arith.select %lt3A, %abs3A_746, %broadcast_in_dim3A_482 : vector<16xi1>, vector<16xf32>
          %add3A_748 = arith.addf %add3A_713, %select_n3A_747 : vector<16xf32>
          %get3A_749 = arith.constant 7 : i32
          %get3A_750 = arith.constant 0 : i32
          %get3A_751 = arith.constant 0 : i32
          %get3A_752 = tpu.memref_slice %run_scoped3A_49[%rem3A_336, %get3A_750, %get3A_751] : memref<2x8x800xf32, #tpu.memory_space<vmem>> -> memref<1x8x800xf32, #tpu.memory_space<vmem>>
          %get3A_753 = tpu.memref_squeeze %get3A_752 : memref<1x8x800xf32, #tpu.memory_space<vmem>> -> memref<8x800xf32, #tpu.memory_space<vmem>>
          %get3A_754 = arith.index_cast %get3A_749 : i32 to index
          %get3A_755 = arith.index_cast %mul3A_478 : i32 to index
          %get3A_756 = tpu.vector_load %get3A_753[%get3A_754, %get3A_755] {strides = array<i32>} : memref<8x800xf32, #tpu.memory_space<vmem>>, vector<1x16xf32>,
          %get3A_757 = vector.shape_cast %get3A_756 : vector<1x16xf32> to vector<16xf32>
          %sub3A_758 = arith.subf %get3A_757, %get3A_735 : vector<16xf32>
          %abs3A_759 = math.absf %sub3A_758 : vector<16xf32>
          %select_n3A_760 = arith.select %lt3A, %abs3A_759, %broadcast_in_dim3A_482 : vector<16xi1>, vector<16xf32>
          %add3A_761 = arith.addf %add3A_726, %select_n3A_760 : vector<16xf32>
          scf.yield %add3A_748, %add3A_761 : vector<16xf32>, vector<16xf32>
        }
        %scan3A_354 = arith.constant 50 : i32
        %swap3A_355 = arith.constant 0 : i32
        %swap3A_356 = arith.index_cast %swap3A_355 : i32 to index
        %swap3A_357 = arith.constant 0 : index
        %swap3A_358 = tpu.vector_load %arg8[%swap3A_356, %swap3A_357] {strides = array<i32>} : memref<2x16xf32, #tpu.memory_space<vmem>>, vector<1x16xf32>,
        %swap3A_359 = vector.shape_cast %swap3A_358 : vector<1x16xf32> to vector<16xf32>
        %swap3A_360 = vector.shape_cast %scan3A_353#0 : vector<16xf32> to vector<1x16xf32>
        tpu.vector_store %arg8[%swap3A_356, %swap3A_357], %swap3A_360 {strides = array<i32>} : memref<2x16xf32, #tpu.memory_space<vmem>>, vector<1x16xf32>,
        %swap3A_361 = arith.constant 1 : i32
        %swap3A_362 = arith.index_cast %swap3A_361 : i32 to index
        %swap3A_363 = arith.constant 0 : index
        %swap3A_364 = tpu.vector_load %arg8[%swap3A_362, %swap3A_363] {strides = array<i32>} : memref<2x16xf32, #tpu.memory_space<vmem>>, vector<1x16xf32>,
        %swap3A_365 = vector.shape_cast %swap3A_364 : vector<1x16xf32> to vector<16xf32>
        %swap3A_366 = vector.shape_cast %scan3A_353#1 : vector<16xf32> to vector<1x16xf32>
        tpu.vector_store %arg8[%swap3A_362, %swap3A_363], %swap3A_366 {strides = array<i32>} : memref<2x16xf32, #tpu.memory_space<vmem>>, vector<1x16xf32>,
        "tpu.trace_stop"() : () -> ()
        %ne3A_367 = arith.cmpi ne, %add3A_228, %add3A_248 : i32
        %or3A_368 = arith.constant false
        %or3A_369 = arith.ori %or3A_368, %ne3A_367 : i1
        %or3A_370 = arith.constant false
        %or3A_371 = arith.ori %or3A_369, %or3A_370 : i1
        %or3A_372 = arith.ori %or3A_371, %eq3A_226 : i1
        %convert_element_type3A_373 = arith.extui %or3A_372 : i1 to i32
        %cond3A_374 = arith.constant 0 : i32
        %cond3A_375 = arith.cmpi ne, %convert_element_type3A_373, %cond3A_374 : i32
        scf.if %cond3A_375 {
        } else {
        }
        %and3A_376 = arith.constant false
        %and3A_377 = arith.andi %or3A_372, %and3A_376 : i1
        %ne3A_378 = arith.cmpi ne, %add3A_228, %add3A_248 : i32
        %or3A_379 = arith.constant false
        %or3A_380 = arith.ori %or3A_379, %ne3A_378 : i1
        %or3A_381 = arith.constant false
        %or3A_382 = arith.ori %or3A_380, %or3A_381 : i1
        %or3A_383 = arith.ori %or3A_382, %eq3A_226 : i1
        %convert_element_type3A_384 = arith.extui %or3A_383 : i1 to i32
        %cond3A_385 = arith.constant 0 : i32
        %cond3A_386 = arith.cmpi ne, %convert_element_type3A_384, %cond3A_385 : i32
        scf.if %cond3A_386 {
        } else {
        }
        %and3A_387 = arith.constant false
        %and3A_388 = arith.andi %or3A_383, %and3A_387 : i1
        %ne3A_389 = arith.cmpi ne, %add3A_228, %add3A_248 : i32
        %or3A_390 = arith.constant false
        %or3A_391 = arith.ori %or3A_390, %ne3A_389 : i1
        %or3A_392 = arith.constant false
        %or3A_393 = arith.ori %or3A_391, %or3A_392 : i1
        %or3A_394 = arith.ori %or3A_393, %eq3A_226 : i1
        %convert_element_type3A_395 = arith.extui %or3A_394 : i1 to i32
        %cond3A_396 = arith.constant 0 : i32
        %cond3A_397 = arith.cmpi ne, %convert_element_type3A_395, %cond3A_396 : i32
        scf.if %cond3A_397 {
        } else {
        }
        %and3A_398 = arith.constant false
        %and3A_399 = arith.andi %or3A_394, %and3A_398 : i1
        %ne3A_400 = arith.cmpi ne, %add3A_228, %add3A_238 : i32
        %or3A_401 = arith.constant false
        %or3A_402 = arith.ori %or3A_401, %ne3A_400 : i1
        %or3A_403 = arith.constant false
        %or3A_404 = arith.ori %or3A_402, %or3A_403 : i1
        %not3A_405 = arith.constant true
        %not3A_406 = arith.xori %eq3A_224, %not3A_405 : i1
        %and3A_407 = arith.andi %or3A_404, %not3A_406 : i1
        %convert_element_type3A_408 = arith.extui %and3A_407 : i1 to i32
        %cond3A_409 = arith.constant 0 : i32
        %cond3A_410 = arith.cmpi ne, %convert_element_type3A_408, %cond3A_409 : i32
        scf.if %cond3A_410 {
        } else {
        }
        %and3A_411 = arith.constant false
        %and3A_412 = arith.andi %and3A_407, %and3A_411 : i1
        %ne3A_413 = arith.cmpi ne, %add3A_228, %add3A_238 : i32
        %or3A_414 = arith.constant false
        %or3A_415 = arith.ori %or3A_414, %ne3A_413 : i1
        %or3A_416 = arith.constant false
        %or3A_417 = arith.ori %or3A_415, %or3A_416 : i1
        %not3A_418 = arith.constant true
        %not3A_419 = arith.xori %eq3A_224, %not3A_418 : i1
        %and3A_420 = arith.andi %or3A_417, %not3A_419 : i1
        %convert_element_type3A_421 = arith.extui %and3A_420 : i1 to i32
        %cond3A_422 = arith.constant 0 : i32
        %cond3A_423 = arith.cmpi ne, %convert_element_type3A_421, %cond3A_422 : i32
        scf.if %cond3A_423 {
        } else {
        }
        %and3A_424 = arith.constant false
        %and3A_425 = arith.andi %and3A_420, %and3A_424 : i1
        %ne3A_426 = arith.cmpi ne, %add3A_228, %add3A_238 : i32
        %or3A_427 = arith.constant false
        %or3A_428 = arith.ori %or3A_427, %ne3A_426 : i1
        %or3A_429 = arith.constant false
        %or3A_430 = arith.ori %or3A_428, %or3A_429 : i1
        %not3A_431 = arith.constant true
        %not3A_432 = arith.xori %eq3A_224, %not3A_431 : i1
        %and3A_433 = arith.andi %or3A_430, %not3A_432 : i1
        %convert_element_type3A_434 = arith.extui %and3A_433 : i1 to i32
        %cond3A_435 = arith.constant 0 : i32
        %cond3A_436 = arith.cmpi ne, %convert_element_type3A_434, %cond3A_435 : i32
        scf.if %cond3A_436 {
        } else {
        }
        %and3A_437 = arith.constant false
        %and3A_438 = arith.andi %and3A_433, %and3A_437 : i1
        %ne3A_439 = arith.cmpi ne, %add3A_228, %add3A_248 : i32
        %or3A_440 = arith.constant false
        %or3A_441 = arith.ori %or3A_440, %ne3A_439 : i1
        %or3A_442 = arith.constant false
        %or3A_443 = arith.ori %or3A_441, %or3A_442 : i1
        %or3A_444 = arith.ori %or3A_443, %eq3A_226 : i1
        %add3A_445 = arith.constant 1 : i32
        %add3A_446 = arith.addi %scan3A_217, %add3A_445 : i32
        %select_n3A_447 = arith.select %or3A_444, %add3A_446, %scan3A_217 : i32
        %ne3A_448 = arith.cmpi ne, %add3A_228, %add3A_248 : i32
        %or3A_449 = arith.constant false
        %or3A_450 = arith.ori %or3A_449, %ne3A_448 : i1
        %or3A_451 = arith.constant false
        %or3A_452 = arith.ori %or3A_450, %or3A_451 : i1
        %or3A_453 = arith.ori %or3A_452, %eq3A_226 : i1
        %add3A_454 = arith.constant 1 : i32
        %add3A_455 = arith.addi %scan3A_219, %add3A_454 : i32
        %select_n3A_456 = arith.select %or3A_453, %add3A_455, %scan3A_219 : i32
        %ne3A_457 = arith.cmpi ne, %add3A_228, %add3A_248 : i32
        %or3A_458 = arith.constant false
        %or3A_459 = arith.ori %or3A_458, %ne3A_457 : i1
        %or3A_460 = arith.constant false
        %or3A_461 = arith.ori %or3A_459, %or3A_460 : i1
        %or3A_462 = arith.ori %or3A_461, %eq3A_226 : i1
        %add3A_463 = arith.constant 1 : i32
        %add3A_464 = arith.addi %scan3A_221, %add3A_463 : i32
        %select_n3A_465 = arith.select %or3A_462, %add3A_464, %scan3A_221 : i32
        %add3A_466 = arith.constant 1 : i32
        %add3A_467 = arith.addi %scan3A_222, %add3A_466 : i32
        %select_n3A_468 = arith.constant true
        %select_n3A_469 = arith.select %select_n3A_468, %add3A_467, %scan3A_222 : i32
        %eq3A_470 = arith.constant 5 : i32
        %eq3A_471 = arith.cmpi eq, %select_n3A_469, %eq3A_470 : i32
        %select_n3A_472 = arith.constant 0 : i32
        %select_n3A_473 = arith.select %eq3A_471, %select_n3A_472, %select_n3A_469 : i32
        scf.yield %select_n3A_269, %select_n3A_447, %select_n3A_287, %select_n3A_456, %select_n3A_305, %select_n3A_465, %select_n3A_473 : i32, i32, i32, i32, i32, i32, i32
      }
      %scan3A_175 = arith.constant 5 : i32
      %sub3A = arith.constant 1 : i32
      %sub3A_176 = arith.subi %scan3A_174#6, %sub3A : i32
      %select_n3A_177 = arith.constant true
      %select_n3A_178 = arith.select %select_n3A_177, %sub3A_176, %scan3A_174#6 : i32
      %eq3A_179 = arith.constant -1 : i32
      %eq3A_180 = arith.cmpi eq, %select_n3A_178, %eq3A_179 : i32
      %select_n3A_181 = arith.constant 4 : i32
      %select_n3A_182 = arith.select %eq3A_180, %select_n3A_181, %select_n3A_178 : i32
      %add3A_183 = arith.constant 0 : i32
      %add3A_184 = arith.addi %select_n3A_182, %add3A_183 : i32
      %sub3A_185 = arith.constant 1 : i32
      %sub3A_186 = arith.subi %select_n3A_182, %sub3A_185 : i32
      %select_n3A_187 = arith.constant true
      %select_n3A_188 = arith.select %select_n3A_187, %sub3A_186, %select_n3A_182 : i32
      %eq3A_189 = arith.constant -1 : i32
      %eq3A_190 = arith.cmpi eq, %select_n3A_188, %eq3A_189 : i32
      %select_n3A_191 = arith.constant 4 : i32
      %select_n3A_192 = arith.select %eq3A_190, %select_n3A_191, %select_n3A_188 : i32
      %add3A_193 = arith.constant 0 : i32
      %add3A_194 = arith.addi %select_n3A_192, %add3A_193 : i32
      %add3A_195 = arith.constant 1 : i32
      %add3A_196 = arith.addi %select_n3A_182, %add3A_195 : i32
      %select_n3A_197 = arith.constant true
      %select_n3A_198 = arith.select %select_n3A_197, %add3A_196, %select_n3A_182 : i32
      %eq3A_199 = arith.constant 5 : i32
      %eq3A_200 = arith.cmpi eq, %select_n3A_198, %eq3A_199 : i32
      %select_n3A_201 = arith.constant 0 : i32
      %select_n3A_202 = arith.select %eq3A_200, %select_n3A_201, %select_n3A_198 : i32
      %add3A_203 = arith.constant 0 : i32
      %add3A_204 = arith.addi %select_n3A_202, %add3A_203 : i32
      %add3A_205 = arith.constant 1 : i32
      %add3A_206 = arith.addi %select_n3A_202, %add3A_205 : i32
      %select_n3A_207 = arith.constant true
      %select_n3A_208 = arith.select %select_n3A_207, %add3A_206, %select_n3A_202 : i32
      %eq3A_209 = arith.constant 5 : i32
      %eq3A_210 = arith.cmpi eq, %select_n3A_208, %eq3A_209 : i32
      %select_n3A_211 = arith.constant 0 : i32
      %select_n3A_212 = arith.select %eq3A_210, %select_n3A_211, %select_n3A_208 : i32
      %add3A_213 = arith.constant 0 : i32
      %add3A_214 = arith.addi %select_n3A_212, %add3A_213 : i32
      tpu.yield
    }) : () -> ()
    %dma_start3A_32 = arith.constant 0 : i32
    %dma_start3A_33 = arith.constant 0 : i32
    %dma_start3A_34 = tpu.memref_slice %arg7[%add3A, %dma_start3A_32, %dma_start3A_33] : memref<32x2x16xf32, #tpu.memory_space<hbm>> -> memref<1x2x16xf32, #tpu.memory_space<hbm>>
    %dma_start3A_35 = tpu.memref_squeeze %dma_start3A_34 : memref<1x2x16xf32, #tpu.memory_space<hbm>> -> memref<2x16xf32, #tpu.memory_space<hbm>>
    %dma_start3A_36 = arith.constant 0 : i32
    %dma_start3A_37 = arith.constant 0 : i32
    %dma_start3A_38 = tpu.memref_slice %arg7[%add3A, %dma_start3A_36, %dma_start3A_37] : memref<32x2x16xf32, #tpu.memory_space<hbm>> -> memref<1x2x16xf32, #tpu.memory_space<hbm>>
    %dma_start3A_39 = tpu.memref_squeeze %dma_start3A_38 : memref<1x2x16xf32, #tpu.memory_space<hbm>> -> memref<2x16xf32, #tpu.memory_space<hbm>>
    tpu.enqueue_dma source(%arg8 : memref<2x16xf32, #tpu.memory_space<vmem>>) target(%dma_start3A_39 : memref<2x16xf32, #tpu.memory_space<hbm>>) target_semaphore(%arg11 : memref<!tpu.dma_semaphore, #tpu.memory_space<semaphore_mem>>)
    %dma_wait3A_40 = arith.constant 0 : i32
    %dma_wait3A_41 = arith.constant 0 : i32
    %dma_wait3A_42 = tpu.memref_slice %arg7[%add3A, %dma_wait3A_40, %dma_wait3A_41] : memref<32x2x16xf32, #tpu.memory_space<hbm>> -> memref<1x2x16xf32, #tpu.memory_space<hbm>>
    %dma_wait3A_43 = tpu.memref_squeeze %dma_wait3A_42 : memref<1x2x16xf32, #tpu.memory_space<hbm>> -> memref<2x16xf32, #tpu.memory_space<hbm>>
    %dma_wait3A_44 = arith.constant 0 : i32
    %dma_wait3A_45 = arith.constant 0 : i32
    %dma_wait3A_46 = tpu.memref_slice %arg7[%add3A, %dma_wait3A_44, %dma_wait3A_45] : memref<32x2x16xf32, #tpu.memory_space<hbm>> -> memref<1x2x16xf32, #tpu.memory_space<hbm>>
    %dma_wait3A_47 = tpu.memref_squeeze %dma_wait3A_46 : memref<1x2x16xf32, #tpu.memory_space<hbm>> -> memref<2x16xf32, #tpu.memory_space<hbm>>
    tpu.wait_dma2 semaphore(%arg11 : memref<!tpu.dma_semaphore, #tpu.memory_space<semaphore_mem>>) src(%arg8 : memref<2x16xf32, #tpu.memory_space<vmem>>) dst(%dma_wait3A_47 : memref<2x16xf32, #tpu.memory_space<hbm>>)
    return
  }
}

module attributes {stable_mosaic.version = 14 : i64} {
  func.func @_tc_kernel(%arg0: i32, %arg1: memref<32xi32, #tpu.memory_space<smem>>, %arg2: memref<32xi32, #tpu.memory_space<smem>>, %arg3: memref<32x800xf32, #tpu.memory_space<vmem>>, %arg4: memref<32x800xf32, #tpu.memory_space<vmem>>, %arg5: memref<4x1x160x800xf32, #tpu.memory_space<vmem>>, %arg6: memref<4x1x160x800xf32, #tpu.memory_space<vmem>>, %arg7: memref<4xf32, #tpu.memory_space<smem>>, %arg8: memref<4xf32, #tpu.memory_space<smem>>) attributes {dimension_semantics = [#tpu.dimension_semantics<arbitrary>], iteration_bounds = array<i64: 8>, scalar_prefetch = 0 : i64, scratch_operands = 1 : i64, tpu.core_type = #tpu.core_type<tc>, window_params = [{transform_indices = @transform_0, window_bounds = array<i64: 32>}, {transform_indices = @transform_1, window_bounds = array<i64: 32>}, {pipeline_mode = #tpu.pipeline_mode<synchronous>, transform_indices = @transform_2, window_bounds = array<i64: 32, 800>}, {pipeline_mode = #tpu.pipeline_mode<synchronous>, transform_indices = @transform_3, window_bounds = array<i64: 32, 800>}, {transform_indices = @transform_4, window_bounds = array<i64: 4, 1, 160, 800>}, {transform_indices = @transform_5, window_bounds = array<i64: 4, 1, 160, 800>}, {transform_indices = @transform_6, window_bounds = array<i64: 4>}]} {
    %eq3A = arith.constant 0 : i32
    %eq3A_0 = arith.cmpi eq, %arg0, %eq3A : i32
    %convert_element_type3A = arith.extui %eq3A_0 : i1 to i32
    %cond3A = arith.constant 0 : i32
    %cond3A_1 = arith.cmpi ne, %convert_element_type3A, %cond3A : i32
    scf.if %cond3A_1 {
      %swap3A_404 = arith.constant 0.000000e+00 : f32
      %swap3A_405 = arith.constant 0 : index
      %swap3A_406 = memref.load %arg8[%swap3A_405] : memref<4xf32, #tpu.memory_space<smem>>
      memref.store %swap3A_404, %arg8[%swap3A_405] : memref<4xf32, #tpu.memory_space<smem>>
      %swap3A_407 = arith.constant 0.000000e+00 : f32
      %swap3A_408 = arith.constant 1 : index
      %swap3A_409 = memref.load %arg8[%swap3A_408] : memref<4xf32, #tpu.memory_space<smem>>
      memref.store %swap3A_407, %arg8[%swap3A_408] : memref<4xf32, #tpu.memory_space<smem>>
      %swap3A_410 = arith.constant 0.000000e+00 : f32
      %swap3A_411 = arith.constant 2 : index
      %swap3A_412 = memref.load %arg8[%swap3A_411] : memref<4xf32, #tpu.memory_space<smem>>
      memref.store %swap3A_410, %arg8[%swap3A_411] : memref<4xf32, #tpu.memory_space<smem>>
      %swap3A_413 = arith.constant 0.000000e+00 : f32
      %swap3A_414 = arith.constant 3 : index
      %swap3A_415 = memref.load %arg8[%swap3A_414] : memref<4xf32, #tpu.memory_space<smem>>
      memref.store %swap3A_413, %arg8[%swap3A_414] : memref<4xf32, #tpu.memory_space<smem>>
    } else {
    }
    %mul3A = arith.constant 4 : i32
    %mul3A_2 = arith.muli %arg0, %mul3A : i32
    %add3A = arith.constant 0 : i32
    %add3A_3 = arith.addi %mul3A_2, %add3A : i32
    %get3A = arith.index_cast %add3A_3 : i32 to index
    %get3A_4 = memref.load %arg1[%get3A] : memref<32xi32, #tpu.memory_space<smem>>
    %get3A_5 = arith.index_cast %add3A_3 : i32 to index
    %get3A_6 = memref.load %arg2[%get3A_5] : memref<32xi32, #tpu.memory_space<smem>>
    %convert_element_type3A_7 = arith.sitofp %get3A_4 : i32 to f32
    %convert_element_type3A_8 = arith.sitofp %get3A_6 : i32 to f32
    %get3A_9 = arith.index_cast %add3A_3 : i32 to index
    %get3A_10 = arith.constant 0 : index
    %get3A_11 = vector.load %arg3[%get3A_9, %get3A_10] : memref<32x800xf32, #tpu.memory_space<vmem>>, vector<1x800xf32>
    %get3A_12 = arith.index_cast %add3A_3 : i32 to index
    %get3A_13 = arith.constant 0 : index
    %get3A_14 = vector.load %arg4[%get3A_12, %get3A_13] : memref<32x800xf32, #tpu.memory_space<vmem>>, vector<1x800xf32>
    %iota3A = tpu.iota {dimensions = array<i32: 1>} : vector<1x800xi32>
    %lt3A = vector.broadcast %get3A_4 : i32 to vector<1x800xi32>
    %lt3A_15 = arith.cmpi slt, %iota3A, %lt3A : vector<1x800xi32>
    %max3A = arith.constant 0.000000e+00 : f32
    %max3A_16 = vector.broadcast %max3A : f32 to vector<1x800xf32>
    %max3A_17 = arith.maximumf %get3A_11, %max3A_16 : vector<1x800xf32>
    %mul3A_18 = arith.mulf %get3A_11, %get3A_14 : vector<1x800xf32>
    %sub3A = arith.subf %max3A_17, %mul3A_18 : vector<1x800xf32>
    %abs3A = math.absf %get3A_11 : vector<1x800xf32>
    %neg3A = arith.constant 0.000000e+00 : f32
    %neg3A_19 = vector.broadcast %neg3A : f32 to vector<1x800xf32>
    %neg3A_20 = arith.subf %neg3A_19, %abs3A : vector<1x800xf32>
    %exp3A = math.exp %neg3A_20 : vector<1x800xf32>
    %log1p3A = math.log1p %exp3A : vector<1x800xf32>
    %add3A_21 = arith.addf %sub3A, %log1p3A : vector<1x800xf32>
    %jit3A = arith.constant 0.000000e+00 : f32
    %broadcast_in_dim3A = vector.broadcast %jit3A : f32 to vector<1x800xf32>
    %select_n3A = arith.select %lt3A_15, %add3A_21, %broadcast_in_dim3A : vector<1x800xi1>, vector<1x800xf32>
    %reduce_sum3A = vector.shape_cast %select_n3A : vector<1x800xf32> to vector<1x1x800xf32>
    %reduce_sum3A_22 = arith.constant dense<0.000000e+00> : vector<1xf32>
    %reduce_sum3A_23 = vector.multi_reduction <add>, %reduce_sum3A, %reduce_sum3A_22 [1, 2] : vector<1x1x800xf32> to vector<1xf32>
    %reduce_sum3A_24 = vector.shape_cast %reduce_sum3A_23 : vector<1xf32> to vector<1x1x1xf32>
    %reduce_sum3A_25 = vector.extract %reduce_sum3A_24[0, 0, 0] : f32 from vector<1x1x1xf32>
    %add3A_26 = arith.constant 0.000000e+00 : f32
    %add3A_27 = arith.addf %add3A_26, %reduce_sum3A_25 : f32
    %get3A_28 = arith.constant 0 : index
    %get3A_29 = arith.constant 0 : index
    %get3A_30 = arith.constant 0 : index
    %get3A_31 = arith.constant 0 : index
    %get3A_32 = vector.load %arg5[%get3A_28, %get3A_29, %get3A_30, %get3A_31] : memref<4x1x160x800xf32, #tpu.memory_space<vmem>>, vector<1x1x160x800xf32>
    %get3A_33 = vector.shape_cast %get3A_32 : vector<1x1x160x800xf32> to vector<160x800xf32>
    %get3A_34 = arith.constant 0 : index
    %get3A_35 = arith.constant 0 : index
    %get3A_36 = arith.constant 0 : index
    %get3A_37 = arith.constant 0 : index
    %get3A_38 = vector.load %arg6[%get3A_34, %get3A_35, %get3A_36, %get3A_37] : memref<4x1x160x800xf32, #tpu.memory_space<vmem>>, vector<1x1x160x800xf32>
    %get3A_39 = vector.shape_cast %get3A_38 : vector<1x1x160x800xf32> to vector<160x800xf32>
    %add3A_40 = arith.addf %get3A_33, %get3A_39 : vector<160x800xf32>
    %iota3A_41 = tpu.iota {dimensions = array<i32: 0>} : vector<160x800xi32>
    %add3A_42 = arith.constant 1 : i32
    %add3A_43 = vector.broadcast %add3A_42 : i32 to vector<160x800xi32>
    %add3A_44 = arith.addi %iota3A_41, %add3A_43 : vector<160x800xi32>
    %iota3A_45 = tpu.iota {dimensions = array<i32: 1>} : vector<160x800xi32>
    %add3A_46 = arith.constant 1 : i32
    %add3A_47 = vector.broadcast %add3A_46 : i32 to vector<160x800xi32>
    %add3A_48 = arith.addi %iota3A_45, %add3A_47 : vector<160x800xi32>
    %convert_element_type3A_49 = arith.sitofp %add3A_48 : vector<160x800xi32> to vector<160x800xf32>
    %convert_element_type3A_50 = arith.sitofp %add3A_44 : vector<160x800xi32> to vector<160x800xf32>
    %div3A = arith.constant 1.000000e+00 : f32
    %div3A_51 = arith.divf %div3A, %convert_element_type3A_7 : f32
    %mul3A_52 = vector.broadcast %div3A_51 : f32 to vector<160x800xf32>
    %mul3A_53 = arith.mulf %convert_element_type3A_49, %mul3A_52 : vector<160x800xf32>
    %div3A_54 = arith.constant 1.000000e+00 : f32
    %div3A_55 = arith.divf %div3A_54, %convert_element_type3A_8 : f32
    %mul3A_56 = vector.broadcast %div3A_55 : f32 to vector<160x800xf32>
    %mul3A_57 = arith.mulf %convert_element_type3A_50, %mul3A_56 : vector<160x800xf32>
    %sub3A_58 = arith.subf %mul3A_53, %mul3A_57 : vector<160x800xf32>
    %mul3A_59 = arith.constant -1.250000e+00 : f32
    %mul3A_60 = vector.broadcast %mul3A_59 : f32 to vector<160x800xf32>
    %mul3A_61 = arith.mulf %mul3A_60, %sub3A_58 : vector<160x800xf32>
    %mul3A_62 = arith.mulf %mul3A_61, %sub3A_58 : vector<160x800xf32>
    %exp3A_63 = math.exp %mul3A_62 : vector<160x800xf32>
    %sub3A_64 = arith.constant 1.000000e+00 : f32
    %sub3A_65 = vector.broadcast %sub3A_64 : f32 to vector<160x800xf32>
    %sub3A_66 = arith.subf %sub3A_65, %exp3A_63 : vector<160x800xf32>
    %le3A = vector.broadcast %get3A_4 : i32 to vector<160x800xi32>
    %le3A_67 = arith.cmpi sle, %add3A_48, %le3A : vector<160x800xi32>
    %le3A_68 = vector.broadcast %get3A_6 : i32 to vector<160x800xi32>
    %le3A_69 = arith.cmpi sle, %add3A_44, %le3A_68 : vector<160x800xi32>
    %and3A = arith.andi %le3A_67, %le3A_69 : vector<160x800xi1>
    %mul3A_70 = arith.mulf %add3A_40, %sub3A_66 : vector<160x800xf32>
    %jit3A_71 = arith.constant 0.000000e+00 : f32
    %broadcast_in_dim3A_72 = vector.broadcast %jit3A_71 : f32 to vector<160x800xf32>
    %select_n3A_73 = arith.select %and3A, %mul3A_70, %broadcast_in_dim3A_72 : vector<160x800xi1>, vector<160x800xf32>
    %reduce_sum3A_74 = vector.shape_cast %select_n3A_73 : vector<160x800xf32> to vector<1x160x800xf32>
    %reduce_sum3A_75 = arith.constant dense<0.000000e+00> : vector<1xf32>
    %reduce_sum3A_76 = vector.multi_reduction <add>, %reduce_sum3A_74, %reduce_sum3A_75 [1, 2] : vector<1x160x800xf32> to vector<1xf32>
    %reduce_sum3A_77 = vector.shape_cast %reduce_sum3A_76 : vector<1xf32> to vector<1x1x1xf32>
    %reduce_sum3A_78 = vector.extract %reduce_sum3A_77[0, 0, 0] : f32 from vector<1x1x1xf32>
    %add3A_79 = arith.constant 0.000000e+00 : f32
    %add3A_80 = arith.addf %add3A_79, %reduce_sum3A_78 : f32
    %add3A_81 = arith.constant 0.000000e+00 : f32
    %add3A_82 = arith.addf %add3A_81, %convert_element_type3A_7 : f32
    %mul3A_83 = arith.mulf %convert_element_type3A_7, %convert_element_type3A_8 : f32
    %add3A_84 = arith.constant 0.000000e+00 : f32
    %add3A_85 = arith.addf %add3A_84, %mul3A_83 : f32
    %mul3A_86 = arith.constant 4 : i32
    %mul3A_87 = arith.muli %arg0, %mul3A_86 : i32
    %add3A_88 = arith.constant 1 : i32
    %add3A_89 = arith.addi %mul3A_87, %add3A_88 : i32
    %get3A_90 = arith.index_cast %add3A_89 : i32 to index
    %get3A_91 = memref.load %arg1[%get3A_90] : memref<32xi32, #tpu.memory_space<smem>>
    %get3A_92 = arith.index_cast %add3A_89 : i32 to index
    %get3A_93 = memref.load %arg2[%get3A_92] : memref<32xi32, #tpu.memory_space<smem>>
    %convert_element_type3A_94 = arith.sitofp %get3A_91 : i32 to f32
    %convert_element_type3A_95 = arith.sitofp %get3A_93 : i32 to f32
    %get3A_96 = arith.index_cast %add3A_89 : i32 to index
    %get3A_97 = arith.constant 0 : index
    %get3A_98 = vector.load %arg3[%get3A_96, %get3A_97] : memref<32x800xf32, #tpu.memory_space<vmem>>, vector<1x800xf32>
    %get3A_99 = arith.index_cast %add3A_89 : i32 to index
    %get3A_100 = arith.constant 0 : index
    %get3A_101 = vector.load %arg4[%get3A_99, %get3A_100] : memref<32x800xf32, #tpu.memory_space<vmem>>, vector<1x800xf32>
    %iota3A_102 = tpu.iota {dimensions = array<i32: 1>} : vector<1x800xi32>
    %lt3A_103 = vector.broadcast %get3A_91 : i32 to vector<1x800xi32>
    %lt3A_104 = arith.cmpi slt, %iota3A_102, %lt3A_103 : vector<1x800xi32>
    %max3A_105 = arith.constant 0.000000e+00 : f32
    %max3A_106 = vector.broadcast %max3A_105 : f32 to vector<1x800xf32>
    %max3A_107 = arith.maximumf %get3A_98, %max3A_106 : vector<1x800xf32>
    %mul3A_108 = arith.mulf %get3A_98, %get3A_101 : vector<1x800xf32>
    %sub3A_109 = arith.subf %max3A_107, %mul3A_108 : vector<1x800xf32>
    %abs3A_110 = math.absf %get3A_98 : vector<1x800xf32>
    %neg3A_111 = arith.constant 0.000000e+00 : f32
    %neg3A_112 = vector.broadcast %neg3A_111 : f32 to vector<1x800xf32>
    %neg3A_113 = arith.subf %neg3A_112, %abs3A_110 : vector<1x800xf32>
    %exp3A_114 = math.exp %neg3A_113 : vector<1x800xf32>
    %log1p3A_115 = math.log1p %exp3A_114 : vector<1x800xf32>
    %add3A_116 = arith.addf %sub3A_109, %log1p3A_115 : vector<1x800xf32>
    %jit3A_117 = arith.constant 0.000000e+00 : f32
    %broadcast_in_dim3A_118 = vector.broadcast %jit3A_117 : f32 to vector<1x800xf32>
    %select_n3A_119 = arith.select %lt3A_104, %add3A_116, %broadcast_in_dim3A_118 : vector<1x800xi1>, vector<1x800xf32>
    %reduce_sum3A_120 = vector.shape_cast %select_n3A_119 : vector<1x800xf32> to vector<1x1x800xf32>
    %reduce_sum3A_121 = arith.constant dense<0.000000e+00> : vector<1xf32>
    %reduce_sum3A_122 = vector.multi_reduction <add>, %reduce_sum3A_120, %reduce_sum3A_121 [1, 2] : vector<1x1x800xf32> to vector<1xf32>
    %reduce_sum3A_123 = vector.shape_cast %reduce_sum3A_122 : vector<1xf32> to vector<1x1x1xf32>
    %reduce_sum3A_124 = vector.extract %reduce_sum3A_123[0, 0, 0] : f32 from vector<1x1x1xf32>
    %add3A_125 = arith.addf %add3A_27, %reduce_sum3A_124 : f32
    %get3A_126 = arith.constant 1 : index
    %get3A_127 = arith.constant 0 : index
    %get3A_128 = arith.constant 0 : index
    %get3A_129 = arith.constant 0 : index
    %get3A_130 = vector.load %arg5[%get3A_126, %get3A_127, %get3A_128, %get3A_129] : memref<4x1x160x800xf32, #tpu.memory_space<vmem>>, vector<1x1x160x800xf32>
    %get3A_131 = vector.shape_cast %get3A_130 : vector<1x1x160x800xf32> to vector<160x800xf32>
    %get3A_132 = arith.constant 1 : index
    %get3A_133 = arith.constant 0 : index
    %get3A_134 = arith.constant 0 : index
    %get3A_135 = arith.constant 0 : index
    %get3A_136 = vector.load %arg6[%get3A_132, %get3A_133, %get3A_134, %get3A_135] : memref<4x1x160x800xf32, #tpu.memory_space<vmem>>, vector<1x1x160x800xf32>
    %get3A_137 = vector.shape_cast %get3A_136 : vector<1x1x160x800xf32> to vector<160x800xf32>
    %add3A_138 = arith.addf %get3A_131, %get3A_137 : vector<160x800xf32>
    %iota3A_139 = tpu.iota {dimensions = array<i32: 0>} : vector<160x800xi32>
    %add3A_140 = arith.constant 1 : i32
    %add3A_141 = vector.broadcast %add3A_140 : i32 to vector<160x800xi32>
    %add3A_142 = arith.addi %iota3A_139, %add3A_141 : vector<160x800xi32>
    %iota3A_143 = tpu.iota {dimensions = array<i32: 1>} : vector<160x800xi32>
    %add3A_144 = arith.constant 1 : i32
    %add3A_145 = vector.broadcast %add3A_144 : i32 to vector<160x800xi32>
    %add3A_146 = arith.addi %iota3A_143, %add3A_145 : vector<160x800xi32>
    %convert_element_type3A_147 = arith.sitofp %add3A_146 : vector<160x800xi32> to vector<160x800xf32>
    %convert_element_type3A_148 = arith.sitofp %add3A_142 : vector<160x800xi32> to vector<160x800xf32>
    %div3A_149 = arith.constant 1.000000e+00 : f32
    %div3A_150 = arith.divf %div3A_149, %convert_element_type3A_94 : f32
    %mul3A_151 = vector.broadcast %div3A_150 : f32 to vector<160x800xf32>
    %mul3A_152 = arith.mulf %convert_element_type3A_147, %mul3A_151 : vector<160x800xf32>
    %div3A_153 = arith.constant 1.000000e+00 : f32
    %div3A_154 = arith.divf %div3A_153, %convert_element_type3A_95 : f32
    %mul3A_155 = vector.broadcast %div3A_154 : f32 to vector<160x800xf32>
    %mul3A_156 = arith.mulf %convert_element_type3A_148, %mul3A_155 : vector<160x800xf32>
    %sub3A_157 = arith.subf %mul3A_152, %mul3A_156 : vector<160x800xf32>
    %mul3A_158 = arith.constant -1.250000e+00 : f32
    %mul3A_159 = vector.broadcast %mul3A_158 : f32 to vector<160x800xf32>
    %mul3A_160 = arith.mulf %mul3A_159, %sub3A_157 : vector<160x800xf32>
    %mul3A_161 = arith.mulf %mul3A_160, %sub3A_157 : vector<160x800xf32>
    %exp3A_162 = math.exp %mul3A_161 : vector<160x800xf32>
    %sub3A_163 = arith.constant 1.000000e+00 : f32
    %sub3A_164 = vector.broadcast %sub3A_163 : f32 to vector<160x800xf32>
    %sub3A_165 = arith.subf %sub3A_164, %exp3A_162 : vector<160x800xf32>
    %le3A_166 = vector.broadcast %get3A_91 : i32 to vector<160x800xi32>
    %le3A_167 = arith.cmpi sle, %add3A_146, %le3A_166 : vector<160x800xi32>
    %le3A_168 = vector.broadcast %get3A_93 : i32 to vector<160x800xi32>
    %le3A_169 = arith.cmpi sle, %add3A_142, %le3A_168 : vector<160x800xi32>
    %and3A_170 = arith.andi %le3A_167, %le3A_169 : vector<160x800xi1>
    %mul3A_171 = arith.mulf %add3A_138, %sub3A_165 : vector<160x800xf32>
    %jit3A_172 = arith.constant 0.000000e+00 : f32
    %broadcast_in_dim3A_173 = vector.broadcast %jit3A_172 : f32 to vector<160x800xf32>
    %select_n3A_174 = arith.select %and3A_170, %mul3A_171, %broadcast_in_dim3A_173 : vector<160x800xi1>, vector<160x800xf32>
    %reduce_sum3A_175 = vector.shape_cast %select_n3A_174 : vector<160x800xf32> to vector<1x160x800xf32>
    %reduce_sum3A_176 = arith.constant dense<0.000000e+00> : vector<1xf32>
    %reduce_sum3A_177 = vector.multi_reduction <add>, %reduce_sum3A_175, %reduce_sum3A_176 [1, 2] : vector<1x160x800xf32> to vector<1xf32>
    %reduce_sum3A_178 = vector.shape_cast %reduce_sum3A_177 : vector<1xf32> to vector<1x1x1xf32>
    %reduce_sum3A_179 = vector.extract %reduce_sum3A_178[0, 0, 0] : f32 from vector<1x1x1xf32>
    %add3A_180 = arith.addf %add3A_80, %reduce_sum3A_179 : f32
    %add3A_181 = arith.addf %add3A_82, %convert_element_type3A_94 : f32
    %mul3A_182 = arith.mulf %convert_element_type3A_94, %convert_element_type3A_95 : f32
    %add3A_183 = arith.addf %add3A_85, %mul3A_182 : f32
    %mul3A_184 = arith.constant 4 : i32
    %mul3A_185 = arith.muli %arg0, %mul3A_184 : i32
    %add3A_186 = arith.constant 2 : i32
    %add3A_187 = arith.addi %mul3A_185, %add3A_186 : i32
    %get3A_188 = arith.index_cast %add3A_187 : i32 to index
    %get3A_189 = memref.load %arg1[%get3A_188] : memref<32xi32, #tpu.memory_space<smem>>
    %get3A_190 = arith.index_cast %add3A_187 : i32 to index
    %get3A_191 = memref.load %arg2[%get3A_190] : memref<32xi32, #tpu.memory_space<smem>>
    %convert_element_type3A_192 = arith.sitofp %get3A_189 : i32 to f32
    %convert_element_type3A_193 = arith.sitofp %get3A_191 : i32 to f32
    %get3A_194 = arith.index_cast %add3A_187 : i32 to index
    %get3A_195 = arith.constant 0 : index
    %get3A_196 = vector.load %arg3[%get3A_194, %get3A_195] : memref<32x800xf32, #tpu.memory_space<vmem>>, vector<1x800xf32>
    %get3A_197 = arith.index_cast %add3A_187 : i32 to index
    %get3A_198 = arith.constant 0 : index
    %get3A_199 = vector.load %arg4[%get3A_197, %get3A_198] : memref<32x800xf32, #tpu.memory_space<vmem>>, vector<1x800xf32>
    %iota3A_200 = tpu.iota {dimensions = array<i32: 1>} : vector<1x800xi32>
    %lt3A_201 = vector.broadcast %get3A_189 : i32 to vector<1x800xi32>
    %lt3A_202 = arith.cmpi slt, %iota3A_200, %lt3A_201 : vector<1x800xi32>
    %max3A_203 = arith.constant 0.000000e+00 : f32
    %max3A_204 = vector.broadcast %max3A_203 : f32 to vector<1x800xf32>
    %max3A_205 = arith.maximumf %get3A_196, %max3A_204 : vector<1x800xf32>
    %mul3A_206 = arith.mulf %get3A_196, %get3A_199 : vector<1x800xf32>
    %sub3A_207 = arith.subf %max3A_205, %mul3A_206 : vector<1x800xf32>
    %abs3A_208 = math.absf %get3A_196 : vector<1x800xf32>
    %neg3A_209 = arith.constant 0.000000e+00 : f32
    %neg3A_210 = vector.broadcast %neg3A_209 : f32 to vector<1x800xf32>
    %neg3A_211 = arith.subf %neg3A_210, %abs3A_208 : vector<1x800xf32>
    %exp3A_212 = math.exp %neg3A_211 : vector<1x800xf32>
    %log1p3A_213 = math.log1p %exp3A_212 : vector<1x800xf32>
    %add3A_214 = arith.addf %sub3A_207, %log1p3A_213 : vector<1x800xf32>
    %jit3A_215 = arith.constant 0.000000e+00 : f32
    %broadcast_in_dim3A_216 = vector.broadcast %jit3A_215 : f32 to vector<1x800xf32>
    %select_n3A_217 = arith.select %lt3A_202, %add3A_214, %broadcast_in_dim3A_216 : vector<1x800xi1>, vector<1x800xf32>
    %reduce_sum3A_218 = vector.shape_cast %select_n3A_217 : vector<1x800xf32> to vector<1x1x800xf32>
    %reduce_sum3A_219 = arith.constant dense<0.000000e+00> : vector<1xf32>
    %reduce_sum3A_220 = vector.multi_reduction <add>, %reduce_sum3A_218, %reduce_sum3A_219 [1, 2] : vector<1x1x800xf32> to vector<1xf32>
    %reduce_sum3A_221 = vector.shape_cast %reduce_sum3A_220 : vector<1xf32> to vector<1x1x1xf32>
    %reduce_sum3A_222 = vector.extract %reduce_sum3A_221[0, 0, 0] : f32 from vector<1x1x1xf32>
    %add3A_223 = arith.addf %add3A_125, %reduce_sum3A_222 : f32
    %get3A_224 = arith.constant 2 : index
    %get3A_225 = arith.constant 0 : index
    %get3A_226 = arith.constant 0 : index
    %get3A_227 = arith.constant 0 : index
    %get3A_228 = vector.load %arg5[%get3A_224, %get3A_225, %get3A_226, %get3A_227] : memref<4x1x160x800xf32, #tpu.memory_space<vmem>>, vector<1x1x160x800xf32>
    %get3A_229 = vector.shape_cast %get3A_228 : vector<1x1x160x800xf32> to vector<160x800xf32>
    %get3A_230 = arith.constant 2 : index
    %get3A_231 = arith.constant 0 : index
    %get3A_232 = arith.constant 0 : index
    %get3A_233 = arith.constant 0 : index
    %get3A_234 = vector.load %arg6[%get3A_230, %get3A_231, %get3A_232, %get3A_233] : memref<4x1x160x800xf32, #tpu.memory_space<vmem>>, vector<1x1x160x800xf32>
    %get3A_235 = vector.shape_cast %get3A_234 : vector<1x1x160x800xf32> to vector<160x800xf32>
    %add3A_236 = arith.addf %get3A_229, %get3A_235 : vector<160x800xf32>
    %iota3A_237 = tpu.iota {dimensions = array<i32: 0>} : vector<160x800xi32>
    %add3A_238 = arith.constant 1 : i32
    %add3A_239 = vector.broadcast %add3A_238 : i32 to vector<160x800xi32>
    %add3A_240 = arith.addi %iota3A_237, %add3A_239 : vector<160x800xi32>
    %iota3A_241 = tpu.iota {dimensions = array<i32: 1>} : vector<160x800xi32>
    %add3A_242 = arith.constant 1 : i32
    %add3A_243 = vector.broadcast %add3A_242 : i32 to vector<160x800xi32>
    %add3A_244 = arith.addi %iota3A_241, %add3A_243 : vector<160x800xi32>
    %convert_element_type3A_245 = arith.sitofp %add3A_244 : vector<160x800xi32> to vector<160x800xf32>
    %convert_element_type3A_246 = arith.sitofp %add3A_240 : vector<160x800xi32> to vector<160x800xf32>
    %div3A_247 = arith.constant 1.000000e+00 : f32
    %div3A_248 = arith.divf %div3A_247, %convert_element_type3A_192 : f32
    %mul3A_249 = vector.broadcast %div3A_248 : f32 to vector<160x800xf32>
    %mul3A_250 = arith.mulf %convert_element_type3A_245, %mul3A_249 : vector<160x800xf32>
    %div3A_251 = arith.constant 1.000000e+00 : f32
    %div3A_252 = arith.divf %div3A_251, %convert_element_type3A_193 : f32
    %mul3A_253 = vector.broadcast %div3A_252 : f32 to vector<160x800xf32>
    %mul3A_254 = arith.mulf %convert_element_type3A_246, %mul3A_253 : vector<160x800xf32>
    %sub3A_255 = arith.subf %mul3A_250, %mul3A_254 : vector<160x800xf32>
    %mul3A_256 = arith.constant -1.250000e+00 : f32
    %mul3A_257 = vector.broadcast %mul3A_256 : f32 to vector<160x800xf32>
    %mul3A_258 = arith.mulf %mul3A_257, %sub3A_255 : vector<160x800xf32>
    %mul3A_259 = arith.mulf %mul3A_258, %sub3A_255 : vector<160x800xf32>
    %exp3A_260 = math.exp %mul3A_259 : vector<160x800xf32>
    %sub3A_261 = arith.constant 1.000000e+00 : f32
    %sub3A_262 = vector.broadcast %sub3A_261 : f32 to vector<160x800xf32>
    %sub3A_263 = arith.subf %sub3A_262, %exp3A_260 : vector<160x800xf32>
    %le3A_264 = vector.broadcast %get3A_189 : i32 to vector<160x800xi32>
    %le3A_265 = arith.cmpi sle, %add3A_244, %le3A_264 : vector<160x800xi32>
    %le3A_266 = vector.broadcast %get3A_191 : i32 to vector<160x800xi32>
    %le3A_267 = arith.cmpi sle, %add3A_240, %le3A_266 : vector<160x800xi32>
    %and3A_268 = arith.andi %le3A_265, %le3A_267 : vector<160x800xi1>
    %mul3A_269 = arith.mulf %add3A_236, %sub3A_263 : vector<160x800xf32>
    %jit3A_270 = arith.constant 0.000000e+00 : f32
    %broadcast_in_dim3A_271 = vector.broadcast %jit3A_270 : f32 to vector<160x800xf32>
    %select_n3A_272 = arith.select %and3A_268, %mul3A_269, %broadcast_in_dim3A_271 : vector<160x800xi1>, vector<160x800xf32>
    %reduce_sum3A_273 = vector.shape_cast %select_n3A_272 : vector<160x800xf32> to vector<1x160x800xf32>
    %reduce_sum3A_274 = arith.constant dense<0.000000e+00> : vector<1xf32>
    %reduce_sum3A_275 = vector.multi_reduction <add>, %reduce_sum3A_273, %reduce_sum3A_274 [1, 2] : vector<1x160x800xf32> to vector<1xf32>
    %reduce_sum3A_276 = vector.shape_cast %reduce_sum3A_275 : vector<1xf32> to vector<1x1x1xf32>
    %reduce_sum3A_277 = vector.extract %reduce_sum3A_276[0, 0, 0] : f32 from vector<1x1x1xf32>
    %add3A_278 = arith.addf %add3A_180, %reduce_sum3A_277 : f32
    %add3A_279 = arith.addf %add3A_181, %convert_element_type3A_192 : f32
    %mul3A_280 = arith.mulf %convert_element_type3A_192, %convert_element_type3A_193 : f32
    %add3A_281 = arith.addf %add3A_183, %mul3A_280 : f32
    %mul3A_282 = arith.constant 4 : i32
    %mul3A_283 = arith.muli %arg0, %mul3A_282 : i32
    %add3A_284 = arith.constant 3 : i32
    %add3A_285 = arith.addi %mul3A_283, %add3A_284 : i32
    %get3A_286 = arith.index_cast %add3A_285 : i32 to index
    %get3A_287 = memref.load %arg1[%get3A_286] : memref<32xi32, #tpu.memory_space<smem>>
    %get3A_288 = arith.index_cast %add3A_285 : i32 to index
    %get3A_289 = memref.load %arg2[%get3A_288] : memref<32xi32, #tpu.memory_space<smem>>
    %convert_element_type3A_290 = arith.sitofp %get3A_287 : i32 to f32
    %convert_element_type3A_291 = arith.sitofp %get3A_289 : i32 to f32
    %get3A_292 = arith.index_cast %add3A_285 : i32 to index
    %get3A_293 = arith.constant 0 : index
    %get3A_294 = vector.load %arg3[%get3A_292, %get3A_293] : memref<32x800xf32, #tpu.memory_space<vmem>>, vector<1x800xf32>
    %get3A_295 = arith.index_cast %add3A_285 : i32 to index
    %get3A_296 = arith.constant 0 : index
    %get3A_297 = vector.load %arg4[%get3A_295, %get3A_296] : memref<32x800xf32, #tpu.memory_space<vmem>>, vector<1x800xf32>
    %iota3A_298 = tpu.iota {dimensions = array<i32: 1>} : vector<1x800xi32>
    %lt3A_299 = vector.broadcast %get3A_287 : i32 to vector<1x800xi32>
    %lt3A_300 = arith.cmpi slt, %iota3A_298, %lt3A_299 : vector<1x800xi32>
    %max3A_301 = arith.constant 0.000000e+00 : f32
    %max3A_302 = vector.broadcast %max3A_301 : f32 to vector<1x800xf32>
    %max3A_303 = arith.maximumf %get3A_294, %max3A_302 : vector<1x800xf32>
    %mul3A_304 = arith.mulf %get3A_294, %get3A_297 : vector<1x800xf32>
    %sub3A_305 = arith.subf %max3A_303, %mul3A_304 : vector<1x800xf32>
    %abs3A_306 = math.absf %get3A_294 : vector<1x800xf32>
    %neg3A_307 = arith.constant 0.000000e+00 : f32
    %neg3A_308 = vector.broadcast %neg3A_307 : f32 to vector<1x800xf32>
    %neg3A_309 = arith.subf %neg3A_308, %abs3A_306 : vector<1x800xf32>
    %exp3A_310 = math.exp %neg3A_309 : vector<1x800xf32>
    %log1p3A_311 = math.log1p %exp3A_310 : vector<1x800xf32>
    %add3A_312 = arith.addf %sub3A_305, %log1p3A_311 : vector<1x800xf32>
    %jit3A_313 = arith.constant 0.000000e+00 : f32
    %broadcast_in_dim3A_314 = vector.broadcast %jit3A_313 : f32 to vector<1x800xf32>
    %select_n3A_315 = arith.select %lt3A_300, %add3A_312, %broadcast_in_dim3A_314 : vector<1x800xi1>, vector<1x800xf32>
    %reduce_sum3A_316 = vector.shape_cast %select_n3A_315 : vector<1x800xf32> to vector<1x1x800xf32>
    %reduce_sum3A_317 = arith.constant dense<0.000000e+00> : vector<1xf32>
    %reduce_sum3A_318 = vector.multi_reduction <add>, %reduce_sum3A_316, %reduce_sum3A_317 [1, 2] : vector<1x1x800xf32> to vector<1xf32>
    %reduce_sum3A_319 = vector.shape_cast %reduce_sum3A_318 : vector<1xf32> to vector<1x1x1xf32>
    %reduce_sum3A_320 = vector.extract %reduce_sum3A_319[0, 0, 0] : f32 from vector<1x1x1xf32>
    %add3A_321 = arith.addf %add3A_223, %reduce_sum3A_320 : f32
    %get3A_322 = arith.constant 3 : index
    %get3A_323 = arith.constant 0 : index
    %get3A_324 = arith.constant 0 : index
    %get3A_325 = arith.constant 0 : index
    %get3A_326 = vector.load %arg5[%get3A_322, %get3A_323, %get3A_324, %get3A_325] : memref<4x1x160x800xf32, #tpu.memory_space<vmem>>, vector<1x1x160x800xf32>
    %get3A_327 = vector.shape_cast %get3A_326 : vector<1x1x160x800xf32> to vector<160x800xf32>
    %get3A_328 = arith.constant 3 : index
    %get3A_329 = arith.constant 0 : index
    %get3A_330 = arith.constant 0 : index
    %get3A_331 = arith.constant 0 : index
    %get3A_332 = vector.load %arg6[%get3A_328, %get3A_329, %get3A_330, %get3A_331] : memref<4x1x160x800xf32, #tpu.memory_space<vmem>>, vector<1x1x160x800xf32>
    %get3A_333 = vector.shape_cast %get3A_332 : vector<1x1x160x800xf32> to vector<160x800xf32>
    %add3A_334 = arith.addf %get3A_327, %get3A_333 : vector<160x800xf32>
    %iota3A_335 = tpu.iota {dimensions = array<i32: 0>} : vector<160x800xi32>
    %add3A_336 = arith.constant 1 : i32
    %add3A_337 = vector.broadcast %add3A_336 : i32 to vector<160x800xi32>
    %add3A_338 = arith.addi %iota3A_335, %add3A_337 : vector<160x800xi32>
    %iota3A_339 = tpu.iota {dimensions = array<i32: 1>} : vector<160x800xi32>
    %add3A_340 = arith.constant 1 : i32
    %add3A_341 = vector.broadcast %add3A_340 : i32 to vector<160x800xi32>
    %add3A_342 = arith.addi %iota3A_339, %add3A_341 : vector<160x800xi32>
    %convert_element_type3A_343 = arith.sitofp %add3A_342 : vector<160x800xi32> to vector<160x800xf32>
    %convert_element_type3A_344 = arith.sitofp %add3A_338 : vector<160x800xi32> to vector<160x800xf32>
    %div3A_345 = arith.constant 1.000000e+00 : f32
    %div3A_346 = arith.divf %div3A_345, %convert_element_type3A_290 : f32
    %mul3A_347 = vector.broadcast %div3A_346 : f32 to vector<160x800xf32>
    %mul3A_348 = arith.mulf %convert_element_type3A_343, %mul3A_347 : vector<160x800xf32>
    %div3A_349 = arith.constant 1.000000e+00 : f32
    %div3A_350 = arith.divf %div3A_349, %convert_element_type3A_291 : f32
    %mul3A_351 = vector.broadcast %div3A_350 : f32 to vector<160x800xf32>
    %mul3A_352 = arith.mulf %convert_element_type3A_344, %mul3A_351 : vector<160x800xf32>
    %sub3A_353 = arith.subf %mul3A_348, %mul3A_352 : vector<160x800xf32>
    %mul3A_354 = arith.constant -1.250000e+00 : f32
    %mul3A_355 = vector.broadcast %mul3A_354 : f32 to vector<160x800xf32>
    %mul3A_356 = arith.mulf %mul3A_355, %sub3A_353 : vector<160x800xf32>
    %mul3A_357 = arith.mulf %mul3A_356, %sub3A_353 : vector<160x800xf32>
    %exp3A_358 = math.exp %mul3A_357 : vector<160x800xf32>
    %sub3A_359 = arith.constant 1.000000e+00 : f32
    %sub3A_360 = vector.broadcast %sub3A_359 : f32 to vector<160x800xf32>
    %sub3A_361 = arith.subf %sub3A_360, %exp3A_358 : vector<160x800xf32>
    %le3A_362 = vector.broadcast %get3A_287 : i32 to vector<160x800xi32>
    %le3A_363 = arith.cmpi sle, %add3A_342, %le3A_362 : vector<160x800xi32>
    %le3A_364 = vector.broadcast %get3A_289 : i32 to vector<160x800xi32>
    %le3A_365 = arith.cmpi sle, %add3A_338, %le3A_364 : vector<160x800xi32>
    %and3A_366 = arith.andi %le3A_363, %le3A_365 : vector<160x800xi1>
    %mul3A_367 = arith.mulf %add3A_334, %sub3A_361 : vector<160x800xf32>
    %jit3A_368 = arith.constant 0.000000e+00 : f32
    %broadcast_in_dim3A_369 = vector.broadcast %jit3A_368 : f32 to vector<160x800xf32>
    %select_n3A_370 = arith.select %and3A_366, %mul3A_367, %broadcast_in_dim3A_369 : vector<160x800xi1>, vector<160x800xf32>
    %reduce_sum3A_371 = vector.shape_cast %select_n3A_370 : vector<160x800xf32> to vector<1x160x800xf32>
    %reduce_sum3A_372 = arith.constant dense<0.000000e+00> : vector<1xf32>
    %reduce_sum3A_373 = vector.multi_reduction <add>, %reduce_sum3A_371, %reduce_sum3A_372 [1, 2] : vector<1x160x800xf32> to vector<1xf32>
    %reduce_sum3A_374 = vector.shape_cast %reduce_sum3A_373 : vector<1xf32> to vector<1x1x1xf32>
    %reduce_sum3A_375 = vector.extract %reduce_sum3A_374[0, 0, 0] : f32 from vector<1x1x1xf32>
    %add3A_376 = arith.addf %add3A_278, %reduce_sum3A_375 : f32
    %add3A_377 = arith.addf %add3A_279, %convert_element_type3A_290 : f32
    %mul3A_378 = arith.mulf %convert_element_type3A_290, %convert_element_type3A_291 : f32
    %add3A_379 = arith.addf %add3A_281, %mul3A_378 : f32
    %get3A_380 = arith.constant 0 : index
    %get3A_381 = memref.load %arg8[%get3A_380] : memref<4xf32, #tpu.memory_space<smem>>
    %add3A_382 = arith.addf %get3A_381, %add3A_321 : f32
    %swap3A = arith.constant 0 : index
    %swap3A_383 = memref.load %arg8[%swap3A] : memref<4xf32, #tpu.memory_space<smem>>
    memref.store %add3A_382, %arg8[%swap3A] : memref<4xf32, #tpu.memory_space<smem>>
    %get3A_384 = arith.constant 1 : index
    %get3A_385 = memref.load %arg8[%get3A_384] : memref<4xf32, #tpu.memory_space<smem>>
    %add3A_386 = arith.addf %get3A_385, %add3A_376 : f32
    %swap3A_387 = arith.constant 1 : index
    %swap3A_388 = memref.load %arg8[%swap3A_387] : memref<4xf32, #tpu.memory_space<smem>>
    memref.store %add3A_386, %arg8[%swap3A_387] : memref<4xf32, #tpu.memory_space<smem>>
    %get3A_389 = arith.constant 2 : index
    %get3A_390 = memref.load %arg8[%get3A_389] : memref<4xf32, #tpu.memory_space<smem>>
    %add3A_391 = arith.addf %get3A_390, %add3A_377 : f32
    %swap3A_392 = arith.constant 2 : index
    %swap3A_393 = memref.load %arg8[%swap3A_392] : memref<4xf32, #tpu.memory_space<smem>>
    memref.store %add3A_391, %arg8[%swap3A_392] : memref<4xf32, #tpu.memory_space<smem>>
    %get3A_394 = arith.constant 3 : index
    %get3A_395 = memref.load %arg8[%get3A_394] : memref<4xf32, #tpu.memory_space<smem>>
    %add3A_396 = arith.addf %get3A_395, %add3A_379 : f32
    %swap3A_397 = arith.constant 3 : index
    %swap3A_398 = memref.load %arg8[%swap3A_397] : memref<4xf32, #tpu.memory_space<smem>>
    memref.store %add3A_396, %arg8[%swap3A_397] : memref<4xf32, #tpu.memory_space<smem>>
    %eq3A_399 = arith.constant 7 : i32
    %eq3A_400 = arith.cmpi eq, %arg0, %eq3A_399 : i32
    %convert_element_type3A_401 = arith.extui %eq3A_400 : i1 to i32
    %cond3A_402 = arith.constant 0 : i32
    %cond3A_403 = arith.cmpi ne, %convert_element_type3A_401, %cond3A_402 : i32
    scf.if %cond3A_403 {
      %get3A_404 = arith.constant 0 : index
      %get3A_405 = memref.load %arg8[%get3A_404] : memref<4xf32, #tpu.memory_space<smem>>
      %swap3A_406 = arith.constant 0 : index
      %swap3A_407 = memref.load %arg7[%swap3A_406] : memref<4xf32, #tpu.memory_space<smem>>
      memref.store %get3A_405, %arg7[%swap3A_406] : memref<4xf32, #tpu.memory_space<smem>>
      %get3A_408 = arith.constant 1 : index
      %get3A_409 = memref.load %arg8[%get3A_408] : memref<4xf32, #tpu.memory_space<smem>>
      %swap3A_410 = arith.constant 1 : index
      %swap3A_411 = memref.load %arg7[%swap3A_410] : memref<4xf32, #tpu.memory_space<smem>>
      memref.store %get3A_409, %arg7[%swap3A_410] : memref<4xf32, #tpu.memory_space<smem>>
      %get3A_412 = arith.constant 2 : index
      %get3A_413 = memref.load %arg8[%get3A_412] : memref<4xf32, #tpu.memory_space<smem>>
      %swap3A_414 = arith.constant 2 : index
      %swap3A_415 = memref.load %arg7[%swap3A_414] : memref<4xf32, #tpu.memory_space<smem>>
      memref.store %get3A_413, %arg7[%swap3A_414] : memref<4xf32, #tpu.memory_space<smem>>
      %get3A_416 = arith.constant 3 : index
      %get3A_417 = memref.load %arg8[%get3A_416] : memref<4xf32, #tpu.memory_space<smem>>
      %swap3A_418 = arith.constant 3 : index
      %swap3A_419 = memref.load %arg7[%swap3A_418] : memref<4xf32, #tpu.memory_space<smem>>
      memref.store %get3A_417, %arg7[%swap3A_418] : memref<4xf32, #tpu.memory_space<smem>>
    } else {
    }
    return
  }
  func.func @transform_0(%arg0: i32) -> i32 {
    %c0_i32 = arith.constant 0 : i32
    %c0_i32_0 = arith.constant 0 : i32
    return %c0_i32 : i32
  }
  func.func @transform_1(%arg0: i32) -> i32 {
    %c0_i32 = arith.constant 0 : i32
    %c0_i32_0 = arith.constant 0 : i32
    return %c0_i32 : i32
  }
  func.func @transform_2(%arg0: i32) -> (i32, i32) {
    %c0_i32 = arith.constant 0 : i32
    %c0_i32_0 = arith.constant 0 : i32
    %c0_i32_1 = arith.constant 0 : i32
    return %c0_i32, %c0_i32_0 : i32, i32
  }
  func.func @transform_3(%arg0: i32) -> (i32, i32) {
    %c0_i32 = arith.constant 0 : i32
    %c0_i32_0 = arith.constant 0 : i32
    %c0_i32_1 = arith.constant 0 : i32
    return %c0_i32, %c0_i32_0 : i32, i32
  }
  func.func @transform_4(%arg0: i32) -> (i32, i32, i32, i32) {
    %c2_i32 = arith.constant 2 : i32
    %c0_i32 = arith.constant 0 : i32
    %c0_i32_0 = arith.constant 0 : i32
    %c0_i32_1 = arith.constant 0 : i32
    return %arg0, %c2_i32, %c0_i32, %c0_i32_0 : i32, i32, i32, i32
  }
  func.func @transform_5(%arg0: i32) -> (i32, i32, i32, i32) {
    %c3_i32 = arith.constant 3 : i32
    %c0_i32 = arith.constant 0 : i32
    %c0_i32_0 = arith.constant 0 : i32
    %c0_i32_1 = arith.constant 0 : i32
    return %arg0, %c3_i32, %c0_i32, %c0_i32_0 : i32, i32, i32, i32
  }
  func.func @transform_6(%arg0: i32) -> i32 {
    %c0_i32 = arith.constant 0 : i32
    %c0_i32_0 = arith.constant 0 : i32
    return %c0_i32 : i32
  }
}

module attributes {stable_mosaic.version = 14 : i64} {
  func.func @_tc_mel_kernel(%arg0: i32, %arg1: memref<32xi32, #tpu.memory_space<smem>>, %arg2: memref<8x80x800xf32, #tpu.memory_space<vmem>>, %arg3: memref<8x80x800xf32, #tpu.memory_space<vmem>>, %arg4: memref<8x80x800xf32, #tpu.memory_space<vmem>>, %arg5: memref<2xf32, #tpu.memory_space<smem>>, %arg6: memref<2xf32, #tpu.memory_space<smem>>) attributes {dimension_semantics = [#tpu.dimension_semantics<arbitrary>], iteration_bounds = array<i64: 2>, scalar_prefetch = 0 : i64, scratch_operands = 1 : i64, tpu.core_type = #tpu.core_type<tc>, window_params = [{transform_indices = @transform_0, window_bounds = array<i64: 32>}, {transform_indices = @transform_1, window_bounds = array<i64: 8, 80, 800>}, {transform_indices = @transform_2, window_bounds = array<i64: 8, 80, 800>}, {transform_indices = @transform_3, window_bounds = array<i64: 8, 80, 800>}, {transform_indices = @transform_4, window_bounds = array<i64: 2>}]} {
    %eq3A = arith.constant 0 : i32
    %eq3A_0 = arith.cmpi eq, %arg0, %eq3A : i32
    %convert_element_type3A = arith.extui %eq3A_0 : i1 to i32
    %cond3A = arith.constant 0 : i32
    %cond3A_1 = arith.cmpi ne, %convert_element_type3A, %cond3A : i32
    scf.if %cond3A_1 {
      %swap3A_391 = arith.constant 0.000000e+00 : f32
      %swap3A_392 = arith.constant 0 : index
      %swap3A_393 = memref.load %arg6[%swap3A_392] : memref<2xf32, #tpu.memory_space<smem>>
      memref.store %swap3A_391, %arg6[%swap3A_392] : memref<2xf32, #tpu.memory_space<smem>>
      %swap3A_394 = arith.constant 0.000000e+00 : f32
      %swap3A_395 = arith.constant 1 : index
      %swap3A_396 = memref.load %arg6[%swap3A_395] : memref<2xf32, #tpu.memory_space<smem>>
      memref.store %swap3A_394, %arg6[%swap3A_395] : memref<2xf32, #tpu.memory_space<smem>>
    } else {
    }
    %mul3A = arith.constant 8 : i32
    %mul3A_2 = arith.muli %arg0, %mul3A : i32
    %add3A = arith.constant 16 : i32
    %add3A_3 = arith.addi %add3A, %mul3A_2 : i32
    %add3A_4 = arith.constant 0 : i32
    %add3A_5 = arith.addi %add3A_3, %add3A_4 : i32
    %get3A = arith.index_cast %add3A_5 : i32 to index
    %get3A_6 = memref.load %arg1[%get3A] : memref<32xi32, #tpu.memory_space<smem>>
    %get3A_7 = arith.constant 0 : index
    %get3A_8 = arith.constant 0 : index
    %get3A_9 = arith.constant 0 : index
    %get3A_10 = vector.load %arg2[%get3A_7, %get3A_8, %get3A_9] : memref<8x80x800xf32, #tpu.memory_space<vmem>>, vector<1x80x800xf32>
    %get3A_11 = vector.shape_cast %get3A_10 : vector<1x80x800xf32> to vector<80x800xf32>
    %get3A_12 = arith.constant 0 : index
    %get3A_13 = arith.constant 0 : index
    %get3A_14 = arith.constant 0 : index
    %get3A_15 = vector.load %arg3[%get3A_12, %get3A_13, %get3A_14] : memref<8x80x800xf32, #tpu.memory_space<vmem>>, vector<1x80x800xf32>
    %get3A_16 = vector.shape_cast %get3A_15 : vector<1x80x800xf32> to vector<80x800xf32>
    %get3A_17 = arith.constant 0 : index
    %get3A_18 = arith.constant 0 : index
    %get3A_19 = arith.constant 0 : index
    %get3A_20 = vector.load %arg4[%get3A_17, %get3A_18, %get3A_19] : memref<8x80x800xf32, #tpu.memory_space<vmem>>, vector<1x80x800xf32>
    %get3A_21 = vector.shape_cast %get3A_20 : vector<1x80x800xf32> to vector<80x800xf32>
    %iota3A = tpu.iota {dimensions = array<i32: 1>} : vector<80x800xi32>
    %lt3A = vector.broadcast %get3A_6 : i32 to vector<80x800xi32>
    %lt3A_22 = arith.cmpi slt, %iota3A, %lt3A : vector<80x800xi32>
    %sub3A = arith.subf %get3A_11, %get3A_21 : vector<80x800xf32>
    %abs3A = math.absf %sub3A : vector<80x800xf32>
    %jit3A = arith.constant 0.000000e+00 : f32
    %broadcast_in_dim3A = vector.broadcast %jit3A : f32 to vector<80x800xf32>
    %select_n3A = arith.select %lt3A_22, %abs3A, %broadcast_in_dim3A : vector<80x800xi1>, vector<80x800xf32>
    %reduce_sum3A = vector.shape_cast %select_n3A : vector<80x800xf32> to vector<1x80x800xf32>
    %reduce_sum3A_23 = arith.constant dense<0.000000e+00> : vector<1xf32>
    %reduce_sum3A_24 = vector.multi_reduction <add>, %reduce_sum3A, %reduce_sum3A_23 [1, 2] : vector<1x80x800xf32> to vector<1xf32>
    %reduce_sum3A_25 = vector.shape_cast %reduce_sum3A_24 : vector<1xf32> to vector<1x1x1xf32>
    %reduce_sum3A_26 = vector.extract %reduce_sum3A_25[0, 0, 0] : f32 from vector<1x1x1xf32>
    %add3A_27 = arith.constant 0.000000e+00 : f32
    %add3A_28 = arith.addf %add3A_27, %reduce_sum3A_26 : f32
    %sub3A_29 = arith.subf %get3A_16, %get3A_21 : vector<80x800xf32>
    %abs3A_30 = math.absf %sub3A_29 : vector<80x800xf32>
    %jit3A_31 = arith.constant 0.000000e+00 : f32
    %broadcast_in_dim3A_32 = vector.broadcast %jit3A_31 : f32 to vector<80x800xf32>
    %select_n3A_33 = arith.select %lt3A_22, %abs3A_30, %broadcast_in_dim3A_32 : vector<80x800xi1>, vector<80x800xf32>
    %reduce_sum3A_34 = vector.shape_cast %select_n3A_33 : vector<80x800xf32> to vector<1x80x800xf32>
    %reduce_sum3A_35 = arith.constant dense<0.000000e+00> : vector<1xf32>
    %reduce_sum3A_36 = vector.multi_reduction <add>, %reduce_sum3A_34, %reduce_sum3A_35 [1, 2] : vector<1x80x800xf32> to vector<1xf32>
    %reduce_sum3A_37 = vector.shape_cast %reduce_sum3A_36 : vector<1xf32> to vector<1x1x1xf32>
    %reduce_sum3A_38 = vector.extract %reduce_sum3A_37[0, 0, 0] : f32 from vector<1x1x1xf32>
    %add3A_39 = arith.constant 0.000000e+00 : f32
    %add3A_40 = arith.addf %add3A_39, %reduce_sum3A_38 : f32
    %mul3A_41 = arith.constant 8 : i32
    %mul3A_42 = arith.muli %arg0, %mul3A_41 : i32
    %add3A_43 = arith.constant 16 : i32
    %add3A_44 = arith.addi %add3A_43, %mul3A_42 : i32
    %add3A_45 = arith.constant 1 : i32
    %add3A_46 = arith.addi %add3A_44, %add3A_45 : i32
    %get3A_47 = arith.index_cast %add3A_46 : i32 to index
    %get3A_48 = memref.load %arg1[%get3A_47] : memref<32xi32, #tpu.memory_space<smem>>
    %get3A_49 = arith.constant 1 : index
    %get3A_50 = arith.constant 0 : index
    %get3A_51 = arith.constant 0 : index
    %get3A_52 = vector.load %arg2[%get3A_49, %get3A_50, %get3A_51] : memref<8x80x800xf32, #tpu.memory_space<vmem>>, vector<1x80x800xf32>
    %get3A_53 = vector.shape_cast %get3A_52 : vector<1x80x800xf32> to vector<80x800xf32>
    %get3A_54 = arith.constant 1 : index
    %get3A_55 = arith.constant 0 : index
    %get3A_56 = arith.constant 0 : index
    %get3A_57 = vector.load %arg3[%get3A_54, %get3A_55, %get3A_56] : memref<8x80x800xf32, #tpu.memory_space<vmem>>, vector<1x80x800xf32>
    %get3A_58 = vector.shape_cast %get3A_57 : vector<1x80x800xf32> to vector<80x800xf32>
    %get3A_59 = arith.constant 1 : index
    %get3A_60 = arith.constant 0 : index
    %get3A_61 = arith.constant 0 : index
    %get3A_62 = vector.load %arg4[%get3A_59, %get3A_60, %get3A_61] : memref<8x80x800xf32, #tpu.memory_space<vmem>>, vector<1x80x800xf32>
    %get3A_63 = vector.shape_cast %get3A_62 : vector<1x80x800xf32> to vector<80x800xf32>
    %iota3A_64 = tpu.iota {dimensions = array<i32: 1>} : vector<80x800xi32>
    %lt3A_65 = vector.broadcast %get3A_48 : i32 to vector<80x800xi32>
    %lt3A_66 = arith.cmpi slt, %iota3A_64, %lt3A_65 : vector<80x800xi32>
    %sub3A_67 = arith.subf %get3A_53, %get3A_63 : vector<80x800xf32>
    %abs3A_68 = math.absf %sub3A_67 : vector<80x800xf32>
    %jit3A_69 = arith.constant 0.000000e+00 : f32
    %broadcast_in_dim3A_70 = vector.broadcast %jit3A_69 : f32 to vector<80x800xf32>
    %select_n3A_71 = arith.select %lt3A_66, %abs3A_68, %broadcast_in_dim3A_70 : vector<80x800xi1>, vector<80x800xf32>
    %reduce_sum3A_72 = vector.shape_cast %select_n3A_71 : vector<80x800xf32> to vector<1x80x800xf32>
    %reduce_sum3A_73 = arith.constant dense<0.000000e+00> : vector<1xf32>
    %reduce_sum3A_74 = vector.multi_reduction <add>, %reduce_sum3A_72, %reduce_sum3A_73 [1, 2] : vector<1x80x800xf32> to vector<1xf32>
    %reduce_sum3A_75 = vector.shape_cast %reduce_sum3A_74 : vector<1xf32> to vector<1x1x1xf32>
    %reduce_sum3A_76 = vector.extract %reduce_sum3A_75[0, 0, 0] : f32 from vector<1x1x1xf32>
    %add3A_77 = arith.addf %add3A_28, %reduce_sum3A_76 : f32
    %sub3A_78 = arith.subf %get3A_58, %get3A_63 : vector<80x800xf32>
    %abs3A_79 = math.absf %sub3A_78 : vector<80x800xf32>
    %jit3A_80 = arith.constant 0.000000e+00 : f32
    %broadcast_in_dim3A_81 = vector.broadcast %jit3A_80 : f32 to vector<80x800xf32>
    %select_n3A_82 = arith.select %lt3A_66, %abs3A_79, %broadcast_in_dim3A_81 : vector<80x800xi1>, vector<80x800xf32>
    %reduce_sum3A_83 = vector.shape_cast %select_n3A_82 : vector<80x800xf32> to vector<1x80x800xf32>
    %reduce_sum3A_84 = arith.constant dense<0.000000e+00> : vector<1xf32>
    %reduce_sum3A_85 = vector.multi_reduction <add>, %reduce_sum3A_83, %reduce_sum3A_84 [1, 2] : vector<1x80x800xf32> to vector<1xf32>
    %reduce_sum3A_86 = vector.shape_cast %reduce_sum3A_85 : vector<1xf32> to vector<1x1x1xf32>
    %reduce_sum3A_87 = vector.extract %reduce_sum3A_86[0, 0, 0] : f32 from vector<1x1x1xf32>
    %add3A_88 = arith.addf %add3A_40, %reduce_sum3A_87 : f32
    %mul3A_89 = arith.constant 8 : i32
    %mul3A_90 = arith.muli %arg0, %mul3A_89 : i32
    %add3A_91 = arith.constant 16 : i32
    %add3A_92 = arith.addi %add3A_91, %mul3A_90 : i32
    %add3A_93 = arith.constant 2 : i32
    %add3A_94 = arith.addi %add3A_92, %add3A_93 : i32
    %get3A_95 = arith.index_cast %add3A_94 : i32 to index
    %get3A_96 = memref.load %arg1[%get3A_95] : memref<32xi32, #tpu.memory_space<smem>>
    %get3A_97 = arith.constant 2 : index
    %get3A_98 = arith.constant 0 : index
    %get3A_99 = arith.constant 0 : index
    %get3A_100 = vector.load %arg2[%get3A_97, %get3A_98, %get3A_99] : memref<8x80x800xf32, #tpu.memory_space<vmem>>, vector<1x80x800xf32>
    %get3A_101 = vector.shape_cast %get3A_100 : vector<1x80x800xf32> to vector<80x800xf32>
    %get3A_102 = arith.constant 2 : index
    %get3A_103 = arith.constant 0 : index
    %get3A_104 = arith.constant 0 : index
    %get3A_105 = vector.load %arg3[%get3A_102, %get3A_103, %get3A_104] : memref<8x80x800xf32, #tpu.memory_space<vmem>>, vector<1x80x800xf32>
    %get3A_106 = vector.shape_cast %get3A_105 : vector<1x80x800xf32> to vector<80x800xf32>
    %get3A_107 = arith.constant 2 : index
    %get3A_108 = arith.constant 0 : index
    %get3A_109 = arith.constant 0 : index
    %get3A_110 = vector.load %arg4[%get3A_107, %get3A_108, %get3A_109] : memref<8x80x800xf32, #tpu.memory_space<vmem>>, vector<1x80x800xf32>
    %get3A_111 = vector.shape_cast %get3A_110 : vector<1x80x800xf32> to vector<80x800xf32>
    %iota3A_112 = tpu.iota {dimensions = array<i32: 1>} : vector<80x800xi32>
    %lt3A_113 = vector.broadcast %get3A_96 : i32 to vector<80x800xi32>
    %lt3A_114 = arith.cmpi slt, %iota3A_112, %lt3A_113 : vector<80x800xi32>
    %sub3A_115 = arith.subf %get3A_101, %get3A_111 : vector<80x800xf32>
    %abs3A_116 = math.absf %sub3A_115 : vector<80x800xf32>
    %jit3A_117 = arith.constant 0.000000e+00 : f32
    %broadcast_in_dim3A_118 = vector.broadcast %jit3A_117 : f32 to vector<80x800xf32>
    %select_n3A_119 = arith.select %lt3A_114, %abs3A_116, %broadcast_in_dim3A_118 : vector<80x800xi1>, vector<80x800xf32>
    %reduce_sum3A_120 = vector.shape_cast %select_n3A_119 : vector<80x800xf32> to vector<1x80x800xf32>
    %reduce_sum3A_121 = arith.constant dense<0.000000e+00> : vector<1xf32>
    %reduce_sum3A_122 = vector.multi_reduction <add>, %reduce_sum3A_120, %reduce_sum3A_121 [1, 2] : vector<1x80x800xf32> to vector<1xf32>
    %reduce_sum3A_123 = vector.shape_cast %reduce_sum3A_122 : vector<1xf32> to vector<1x1x1xf32>
    %reduce_sum3A_124 = vector.extract %reduce_sum3A_123[0, 0, 0] : f32 from vector<1x1x1xf32>
    %add3A_125 = arith.addf %add3A_77, %reduce_sum3A_124 : f32
    %sub3A_126 = arith.subf %get3A_106, %get3A_111 : vector<80x800xf32>
    %abs3A_127 = math.absf %sub3A_126 : vector<80x800xf32>
    %jit3A_128 = arith.constant 0.000000e+00 : f32
    %broadcast_in_dim3A_129 = vector.broadcast %jit3A_128 : f32 to vector<80x800xf32>
    %select_n3A_130 = arith.select %lt3A_114, %abs3A_127, %broadcast_in_dim3A_129 : vector<80x800xi1>, vector<80x800xf32>
    %reduce_sum3A_131 = vector.shape_cast %select_n3A_130 : vector<80x800xf32> to vector<1x80x800xf32>
    %reduce_sum3A_132 = arith.constant dense<0.000000e+00> : vector<1xf32>
    %reduce_sum3A_133 = vector.multi_reduction <add>, %reduce_sum3A_131, %reduce_sum3A_132 [1, 2] : vector<1x80x800xf32> to vector<1xf32>
    %reduce_sum3A_134 = vector.shape_cast %reduce_sum3A_133 : vector<1xf32> to vector<1x1x1xf32>
    %reduce_sum3A_135 = vector.extract %reduce_sum3A_134[0, 0, 0] : f32 from vector<1x1x1xf32>
    %add3A_136 = arith.addf %add3A_88, %reduce_sum3A_135 : f32
    %mul3A_137 = arith.constant 8 : i32
    %mul3A_138 = arith.muli %arg0, %mul3A_137 : i32
    %add3A_139 = arith.constant 16 : i32
    %add3A_140 = arith.addi %add3A_139, %mul3A_138 : i32
    %add3A_141 = arith.constant 3 : i32
    %add3A_142 = arith.addi %add3A_140, %add3A_141 : i32
    %get3A_143 = arith.index_cast %add3A_142 : i32 to index
    %get3A_144 = memref.load %arg1[%get3A_143] : memref<32xi32, #tpu.memory_space<smem>>
    %get3A_145 = arith.constant 3 : index
    %get3A_146 = arith.constant 0 : index
    %get3A_147 = arith.constant 0 : index
    %get3A_148 = vector.load %arg2[%get3A_145, %get3A_146, %get3A_147] : memref<8x80x800xf32, #tpu.memory_space<vmem>>, vector<1x80x800xf32>
    %get3A_149 = vector.shape_cast %get3A_148 : vector<1x80x800xf32> to vector<80x800xf32>
    %get3A_150 = arith.constant 3 : index
    %get3A_151 = arith.constant 0 : index
    %get3A_152 = arith.constant 0 : index
    %get3A_153 = vector.load %arg3[%get3A_150, %get3A_151, %get3A_152] : memref<8x80x800xf32, #tpu.memory_space<vmem>>, vector<1x80x800xf32>
    %get3A_154 = vector.shape_cast %get3A_153 : vector<1x80x800xf32> to vector<80x800xf32>
    %get3A_155 = arith.constant 3 : index
    %get3A_156 = arith.constant 0 : index
    %get3A_157 = arith.constant 0 : index
    %get3A_158 = vector.load %arg4[%get3A_155, %get3A_156, %get3A_157] : memref<8x80x800xf32, #tpu.memory_space<vmem>>, vector<1x80x800xf32>
    %get3A_159 = vector.shape_cast %get3A_158 : vector<1x80x800xf32> to vector<80x800xf32>
    %iota3A_160 = tpu.iota {dimensions = array<i32: 1>} : vector<80x800xi32>
    %lt3A_161 = vector.broadcast %get3A_144 : i32 to vector<80x800xi32>
    %lt3A_162 = arith.cmpi slt, %iota3A_160, %lt3A_161 : vector<80x800xi32>
    %sub3A_163 = arith.subf %get3A_149, %get3A_159 : vector<80x800xf32>
    %abs3A_164 = math.absf %sub3A_163 : vector<80x800xf32>
    %jit3A_165 = arith.constant 0.000000e+00 : f32
    %broadcast_in_dim3A_166 = vector.broadcast %jit3A_165 : f32 to vector<80x800xf32>
    %select_n3A_167 = arith.select %lt3A_162, %abs3A_164, %broadcast_in_dim3A_166 : vector<80x800xi1>, vector<80x800xf32>
    %reduce_sum3A_168 = vector.shape_cast %select_n3A_167 : vector<80x800xf32> to vector<1x80x800xf32>
    %reduce_sum3A_169 = arith.constant dense<0.000000e+00> : vector<1xf32>
    %reduce_sum3A_170 = vector.multi_reduction <add>, %reduce_sum3A_168, %reduce_sum3A_169 [1, 2] : vector<1x80x800xf32> to vector<1xf32>
    %reduce_sum3A_171 = vector.shape_cast %reduce_sum3A_170 : vector<1xf32> to vector<1x1x1xf32>
    %reduce_sum3A_172 = vector.extract %reduce_sum3A_171[0, 0, 0] : f32 from vector<1x1x1xf32>
    %add3A_173 = arith.addf %add3A_125, %reduce_sum3A_172 : f32
    %sub3A_174 = arith.subf %get3A_154, %get3A_159 : vector<80x800xf32>
    %abs3A_175 = math.absf %sub3A_174 : vector<80x800xf32>
    %jit3A_176 = arith.constant 0.000000e+00 : f32
    %broadcast_in_dim3A_177 = vector.broadcast %jit3A_176 : f32 to vector<80x800xf32>
    %select_n3A_178 = arith.select %lt3A_162, %abs3A_175, %broadcast_in_dim3A_177 : vector<80x800xi1>, vector<80x800xf32>
    %reduce_sum3A_179 = vector.shape_cast %select_n3A_178 : vector<80x800xf32> to vector<1x80x800xf32>
    %reduce_sum3A_180 = arith.constant dense<0.000000e+00> : vector<1xf32>
    %reduce_sum3A_181 = vector.multi_reduction <add>, %reduce_sum3A_179, %reduce_sum3A_180 [1, 2] : vector<1x80x800xf32> to vector<1xf32>
    %reduce_sum3A_182 = vector.shape_cast %reduce_sum3A_181 : vector<1xf32> to vector<1x1x1xf32>
    %reduce_sum3A_183 = vector.extract %reduce_sum3A_182[0, 0, 0] : f32 from vector<1x1x1xf32>
    %add3A_184 = arith.addf %add3A_136, %reduce_sum3A_183 : f32
    %mul3A_185 = arith.constant 8 : i32
    %mul3A_186 = arith.muli %arg0, %mul3A_185 : i32
    %add3A_187 = arith.constant 16 : i32
    %add3A_188 = arith.addi %add3A_187, %mul3A_186 : i32
    %add3A_189 = arith.constant 4 : i32
    %add3A_190 = arith.addi %add3A_188, %add3A_189 : i32
    %get3A_191 = arith.index_cast %add3A_190 : i32 to index
    %get3A_192 = memref.load %arg1[%get3A_191] : memref<32xi32, #tpu.memory_space<smem>>
    %get3A_193 = arith.constant 4 : index
    %get3A_194 = arith.constant 0 : index
    %get3A_195 = arith.constant 0 : index
    %get3A_196 = vector.load %arg2[%get3A_193, %get3A_194, %get3A_195] : memref<8x80x800xf32, #tpu.memory_space<vmem>>, vector<1x80x800xf32>
    %get3A_197 = vector.shape_cast %get3A_196 : vector<1x80x800xf32> to vector<80x800xf32>
    %get3A_198 = arith.constant 4 : index
    %get3A_199 = arith.constant 0 : index
    %get3A_200 = arith.constant 0 : index
    %get3A_201 = vector.load %arg3[%get3A_198, %get3A_199, %get3A_200] : memref<8x80x800xf32, #tpu.memory_space<vmem>>, vector<1x80x800xf32>
    %get3A_202 = vector.shape_cast %get3A_201 : vector<1x80x800xf32> to vector<80x800xf32>
    %get3A_203 = arith.constant 4 : index
    %get3A_204 = arith.constant 0 : index
    %get3A_205 = arith.constant 0 : index
    %get3A_206 = vector.load %arg4[%get3A_203, %get3A_204, %get3A_205] : memref<8x80x800xf32, #tpu.memory_space<vmem>>, vector<1x80x800xf32>
    %get3A_207 = vector.shape_cast %get3A_206 : vector<1x80x800xf32> to vector<80x800xf32>
    %iota3A_208 = tpu.iota {dimensions = array<i32: 1>} : vector<80x800xi32>
    %lt3A_209 = vector.broadcast %get3A_192 : i32 to vector<80x800xi32>
    %lt3A_210 = arith.cmpi slt, %iota3A_208, %lt3A_209 : vector<80x800xi32>
    %sub3A_211 = arith.subf %get3A_197, %get3A_207 : vector<80x800xf32>
    %abs3A_212 = math.absf %sub3A_211 : vector<80x800xf32>
    %jit3A_213 = arith.constant 0.000000e+00 : f32
    %broadcast_in_dim3A_214 = vector.broadcast %jit3A_213 : f32 to vector<80x800xf32>
    %select_n3A_215 = arith.select %lt3A_210, %abs3A_212, %broadcast_in_dim3A_214 : vector<80x800xi1>, vector<80x800xf32>
    %reduce_sum3A_216 = vector.shape_cast %select_n3A_215 : vector<80x800xf32> to vector<1x80x800xf32>
    %reduce_sum3A_217 = arith.constant dense<0.000000e+00> : vector<1xf32>
    %reduce_sum3A_218 = vector.multi_reduction <add>, %reduce_sum3A_216, %reduce_sum3A_217 [1, 2] : vector<1x80x800xf32> to vector<1xf32>
    %reduce_sum3A_219 = vector.shape_cast %reduce_sum3A_218 : vector<1xf32> to vector<1x1x1xf32>
    %reduce_sum3A_220 = vector.extract %reduce_sum3A_219[0, 0, 0] : f32 from vector<1x1x1xf32>
    %add3A_221 = arith.addf %add3A_173, %reduce_sum3A_220 : f32
    %sub3A_222 = arith.subf %get3A_202, %get3A_207 : vector<80x800xf32>
    %abs3A_223 = math.absf %sub3A_222 : vector<80x800xf32>
    %jit3A_224 = arith.constant 0.000000e+00 : f32
    %broadcast_in_dim3A_225 = vector.broadcast %jit3A_224 : f32 to vector<80x800xf32>
    %select_n3A_226 = arith.select %lt3A_210, %abs3A_223, %broadcast_in_dim3A_225 : vector<80x800xi1>, vector<80x800xf32>
    %reduce_sum3A_227 = vector.shape_cast %select_n3A_226 : vector<80x800xf32> to vector<1x80x800xf32>
    %reduce_sum3A_228 = arith.constant dense<0.000000e+00> : vector<1xf32>
    %reduce_sum3A_229 = vector.multi_reduction <add>, %reduce_sum3A_227, %reduce_sum3A_228 [1, 2] : vector<1x80x800xf32> to vector<1xf32>
    %reduce_sum3A_230 = vector.shape_cast %reduce_sum3A_229 : vector<1xf32> to vector<1x1x1xf32>
    %reduce_sum3A_231 = vector.extract %reduce_sum3A_230[0, 0, 0] : f32 from vector<1x1x1xf32>
    %add3A_232 = arith.addf %add3A_184, %reduce_sum3A_231 : f32
    %mul3A_233 = arith.constant 8 : i32
    %mul3A_234 = arith.muli %arg0, %mul3A_233 : i32
    %add3A_235 = arith.constant 16 : i32
    %add3A_236 = arith.addi %add3A_235, %mul3A_234 : i32
    %add3A_237 = arith.constant 5 : i32
    %add3A_238 = arith.addi %add3A_236, %add3A_237 : i32
    %get3A_239 = arith.index_cast %add3A_238 : i32 to index
    %get3A_240 = memref.load %arg1[%get3A_239] : memref<32xi32, #tpu.memory_space<smem>>
    %get3A_241 = arith.constant 5 : index
    %get3A_242 = arith.constant 0 : index
    %get3A_243 = arith.constant 0 : index
    %get3A_244 = vector.load %arg2[%get3A_241, %get3A_242, %get3A_243] : memref<8x80x800xf32, #tpu.memory_space<vmem>>, vector<1x80x800xf32>
    %get3A_245 = vector.shape_cast %get3A_244 : vector<1x80x800xf32> to vector<80x800xf32>
    %get3A_246 = arith.constant 5 : index
    %get3A_247 = arith.constant 0 : index
    %get3A_248 = arith.constant 0 : index
    %get3A_249 = vector.load %arg3[%get3A_246, %get3A_247, %get3A_248] : memref<8x80x800xf32, #tpu.memory_space<vmem>>, vector<1x80x800xf32>
    %get3A_250 = vector.shape_cast %get3A_249 : vector<1x80x800xf32> to vector<80x800xf32>
    %get3A_251 = arith.constant 5 : index
    %get3A_252 = arith.constant 0 : index
    %get3A_253 = arith.constant 0 : index
    %get3A_254 = vector.load %arg4[%get3A_251, %get3A_252, %get3A_253] : memref<8x80x800xf32, #tpu.memory_space<vmem>>, vector<1x80x800xf32>
    %get3A_255 = vector.shape_cast %get3A_254 : vector<1x80x800xf32> to vector<80x800xf32>
    %iota3A_256 = tpu.iota {dimensions = array<i32: 1>} : vector<80x800xi32>
    %lt3A_257 = vector.broadcast %get3A_240 : i32 to vector<80x800xi32>
    %lt3A_258 = arith.cmpi slt, %iota3A_256, %lt3A_257 : vector<80x800xi32>
    %sub3A_259 = arith.subf %get3A_245, %get3A_255 : vector<80x800xf32>
    %abs3A_260 = math.absf %sub3A_259 : vector<80x800xf32>
    %jit3A_261 = arith.constant 0.000000e+00 : f32
    %broadcast_in_dim3A_262 = vector.broadcast %jit3A_261 : f32 to vector<80x800xf32>
    %select_n3A_263 = arith.select %lt3A_258, %abs3A_260, %broadcast_in_dim3A_262 : vector<80x800xi1>, vector<80x800xf32>
    %reduce_sum3A_264 = vector.shape_cast %select_n3A_263 : vector<80x800xf32> to vector<1x80x800xf32>
    %reduce_sum3A_265 = arith.constant dense<0.000000e+00> : vector<1xf32>
    %reduce_sum3A_266 = vector.multi_reduction <add>, %reduce_sum3A_264, %reduce_sum3A_265 [1, 2] : vector<1x80x800xf32> to vector<1xf32>
    %reduce_sum3A_267 = vector.shape_cast %reduce_sum3A_266 : vector<1xf32> to vector<1x1x1xf32>
    %reduce_sum3A_268 = vector.extract %reduce_sum3A_267[0, 0, 0] : f32 from vector<1x1x1xf32>
    %add3A_269 = arith.addf %add3A_221, %reduce_sum3A_268 : f32
    %sub3A_270 = arith.subf %get3A_250, %get3A_255 : vector<80x800xf32>
    %abs3A_271 = math.absf %sub3A_270 : vector<80x800xf32>
    %jit3A_272 = arith.constant 0.000000e+00 : f32
    %broadcast_in_dim3A_273 = vector.broadcast %jit3A_272 : f32 to vector<80x800xf32>
    %select_n3A_274 = arith.select %lt3A_258, %abs3A_271, %broadcast_in_dim3A_273 : vector<80x800xi1>, vector<80x800xf32>
    %reduce_sum3A_275 = vector.shape_cast %select_n3A_274 : vector<80x800xf32> to vector<1x80x800xf32>
    %reduce_sum3A_276 = arith.constant dense<0.000000e+00> : vector<1xf32>
    %reduce_sum3A_277 = vector.multi_reduction <add>, %reduce_sum3A_275, %reduce_sum3A_276 [1, 2] : vector<1x80x800xf32> to vector<1xf32>
    %reduce_sum3A_278 = vector.shape_cast %reduce_sum3A_277 : vector<1xf32> to vector<1x1x1xf32>
    %reduce_sum3A_279 = vector.extract %reduce_sum3A_278[0, 0, 0] : f32 from vector<1x1x1xf32>
    %add3A_280 = arith.addf %add3A_232, %reduce_sum3A_279 : f32
    %mul3A_281 = arith.constant 8 : i32
    %mul3A_282 = arith.muli %arg0, %mul3A_281 : i32
    %add3A_283 = arith.constant 16 : i32
    %add3A_284 = arith.addi %add3A_283, %mul3A_282 : i32
    %add3A_285 = arith.constant 6 : i32
    %add3A_286 = arith.addi %add3A_284, %add3A_285 : i32
    %get3A_287 = arith.index_cast %add3A_286 : i32 to index
    %get3A_288 = memref.load %arg1[%get3A_287] : memref<32xi32, #tpu.memory_space<smem>>
    %get3A_289 = arith.constant 6 : index
    %get3A_290 = arith.constant 0 : index
    %get3A_291 = arith.constant 0 : index
    %get3A_292 = vector.load %arg2[%get3A_289, %get3A_290, %get3A_291] : memref<8x80x800xf32, #tpu.memory_space<vmem>>, vector<1x80x800xf32>
    %get3A_293 = vector.shape_cast %get3A_292 : vector<1x80x800xf32> to vector<80x800xf32>
    %get3A_294 = arith.constant 6 : index
    %get3A_295 = arith.constant 0 : index
    %get3A_296 = arith.constant 0 : index
    %get3A_297 = vector.load %arg3[%get3A_294, %get3A_295, %get3A_296] : memref<8x80x800xf32, #tpu.memory_space<vmem>>, vector<1x80x800xf32>
    %get3A_298 = vector.shape_cast %get3A_297 : vector<1x80x800xf32> to vector<80x800xf32>
    %get3A_299 = arith.constant 6 : index
    %get3A_300 = arith.constant 0 : index
    %get3A_301 = arith.constant 0 : index
    %get3A_302 = vector.load %arg4[%get3A_299, %get3A_300, %get3A_301] : memref<8x80x800xf32, #tpu.memory_space<vmem>>, vector<1x80x800xf32>
    %get3A_303 = vector.shape_cast %get3A_302 : vector<1x80x800xf32> to vector<80x800xf32>
    %iota3A_304 = tpu.iota {dimensions = array<i32: 1>} : vector<80x800xi32>
    %lt3A_305 = vector.broadcast %get3A_288 : i32 to vector<80x800xi32>
    %lt3A_306 = arith.cmpi slt, %iota3A_304, %lt3A_305 : vector<80x800xi32>
    %sub3A_307 = arith.subf %get3A_293, %get3A_303 : vector<80x800xf32>
    %abs3A_308 = math.absf %sub3A_307 : vector<80x800xf32>
    %jit3A_309 = arith.constant 0.000000e+00 : f32
    %broadcast_in_dim3A_310 = vector.broadcast %jit3A_309 : f32 to vector<80x800xf32>
    %select_n3A_311 = arith.select %lt3A_306, %abs3A_308, %broadcast_in_dim3A_310 : vector<80x800xi1>, vector<80x800xf32>
    %reduce_sum3A_312 = vector.shape_cast %select_n3A_311 : vector<80x800xf32> to vector<1x80x800xf32>
    %reduce_sum3A_313 = arith.constant dense<0.000000e+00> : vector<1xf32>
    %reduce_sum3A_314 = vector.multi_reduction <add>, %reduce_sum3A_312, %reduce_sum3A_313 [1, 2] : vector<1x80x800xf32> to vector<1xf32>
    %reduce_sum3A_315 = vector.shape_cast %reduce_sum3A_314 : vector<1xf32> to vector<1x1x1xf32>
    %reduce_sum3A_316 = vector.extract %reduce_sum3A_315[0, 0, 0] : f32 from vector<1x1x1xf32>
    %add3A_317 = arith.addf %add3A_269, %reduce_sum3A_316 : f32
    %sub3A_318 = arith.subf %get3A_298, %get3A_303 : vector<80x800xf32>
    %abs3A_319 = math.absf %sub3A_318 : vector<80x800xf32>
    %jit3A_320 = arith.constant 0.000000e+00 : f32
    %broadcast_in_dim3A_321 = vector.broadcast %jit3A_320 : f32 to vector<80x800xf32>
    %select_n3A_322 = arith.select %lt3A_306, %abs3A_319, %broadcast_in_dim3A_321 : vector<80x800xi1>, vector<80x800xf32>
    %reduce_sum3A_323 = vector.shape_cast %select_n3A_322 : vector<80x800xf32> to vector<1x80x800xf32>
    %reduce_sum3A_324 = arith.constant dense<0.000000e+00> : vector<1xf32>
    %reduce_sum3A_325 = vector.multi_reduction <add>, %reduce_sum3A_323, %reduce_sum3A_324 [1, 2] : vector<1x80x800xf32> to vector<1xf32>
    %reduce_sum3A_326 = vector.shape_cast %reduce_sum3A_325 : vector<1xf32> to vector<1x1x1xf32>
    %reduce_sum3A_327 = vector.extract %reduce_sum3A_326[0, 0, 0] : f32 from vector<1x1x1xf32>
    %add3A_328 = arith.addf %add3A_280, %reduce_sum3A_327 : f32
    %mul3A_329 = arith.constant 8 : i32
    %mul3A_330 = arith.muli %arg0, %mul3A_329 : i32
    %add3A_331 = arith.constant 16 : i32
    %add3A_332 = arith.addi %add3A_331, %mul3A_330 : i32
    %add3A_333 = arith.constant 7 : i32
    %add3A_334 = arith.addi %add3A_332, %add3A_333 : i32
    %get3A_335 = arith.index_cast %add3A_334 : i32 to index
    %get3A_336 = memref.load %arg1[%get3A_335] : memref<32xi32, #tpu.memory_space<smem>>
    %get3A_337 = arith.constant 7 : index
    %get3A_338 = arith.constant 0 : index
    %get3A_339 = arith.constant 0 : index
    %get3A_340 = vector.load %arg2[%get3A_337, %get3A_338, %get3A_339] : memref<8x80x800xf32, #tpu.memory_space<vmem>>, vector<1x80x800xf32>
    %get3A_341 = vector.shape_cast %get3A_340 : vector<1x80x800xf32> to vector<80x800xf32>
    %get3A_342 = arith.constant 7 : index
    %get3A_343 = arith.constant 0 : index
    %get3A_344 = arith.constant 0 : index
    %get3A_345 = vector.load %arg3[%get3A_342, %get3A_343, %get3A_344] : memref<8x80x800xf32, #tpu.memory_space<vmem>>, vector<1x80x800xf32>
    %get3A_346 = vector.shape_cast %get3A_345 : vector<1x80x800xf32> to vector<80x800xf32>
    %get3A_347 = arith.constant 7 : index
    %get3A_348 = arith.constant 0 : index
    %get3A_349 = arith.constant 0 : index
    %get3A_350 = vector.load %arg4[%get3A_347, %get3A_348, %get3A_349] : memref<8x80x800xf32, #tpu.memory_space<vmem>>, vector<1x80x800xf32>
    %get3A_351 = vector.shape_cast %get3A_350 : vector<1x80x800xf32> to vector<80x800xf32>
    %iota3A_352 = tpu.iota {dimensions = array<i32: 1>} : vector<80x800xi32>
    %lt3A_353 = vector.broadcast %get3A_336 : i32 to vector<80x800xi32>
    %lt3A_354 = arith.cmpi slt, %iota3A_352, %lt3A_353 : vector<80x800xi32>
    %sub3A_355 = arith.subf %get3A_341, %get3A_351 : vector<80x800xf32>
    %abs3A_356 = math.absf %sub3A_355 : vector<80x800xf32>
    %jit3A_357 = arith.constant 0.000000e+00 : f32
    %broadcast_in_dim3A_358 = vector.broadcast %jit3A_357 : f32 to vector<80x800xf32>
    %select_n3A_359 = arith.select %lt3A_354, %abs3A_356, %broadcast_in_dim3A_358 : vector<80x800xi1>, vector<80x800xf32>
    %reduce_sum3A_360 = vector.shape_cast %select_n3A_359 : vector<80x800xf32> to vector<1x80x800xf32>
    %reduce_sum3A_361 = arith.constant dense<0.000000e+00> : vector<1xf32>
    %reduce_sum3A_362 = vector.multi_reduction <add>, %reduce_sum3A_360, %reduce_sum3A_361 [1, 2] : vector<1x80x800xf32> to vector<1xf32>
    %reduce_sum3A_363 = vector.shape_cast %reduce_sum3A_362 : vector<1xf32> to vector<1x1x1xf32>
    %reduce_sum3A_364 = vector.extract %reduce_sum3A_363[0, 0, 0] : f32 from vector<1x1x1xf32>
    %add3A_365 = arith.addf %add3A_317, %reduce_sum3A_364 : f32
    %sub3A_366 = arith.subf %get3A_346, %get3A_351 : vector<80x800xf32>
    %abs3A_367 = math.absf %sub3A_366 : vector<80x800xf32>
    %jit3A_368 = arith.constant 0.000000e+00 : f32
    %broadcast_in_dim3A_369 = vector.broadcast %jit3A_368 : f32 to vector<80x800xf32>
    %select_n3A_370 = arith.select %lt3A_354, %abs3A_367, %broadcast_in_dim3A_369 : vector<80x800xi1>, vector<80x800xf32>
    %reduce_sum3A_371 = vector.shape_cast %select_n3A_370 : vector<80x800xf32> to vector<1x80x800xf32>
    %reduce_sum3A_372 = arith.constant dense<0.000000e+00> : vector<1xf32>
    %reduce_sum3A_373 = vector.multi_reduction <add>, %reduce_sum3A_371, %reduce_sum3A_372 [1, 2] : vector<1x80x800xf32> to vector<1xf32>
    %reduce_sum3A_374 = vector.shape_cast %reduce_sum3A_373 : vector<1xf32> to vector<1x1x1xf32>
    %reduce_sum3A_375 = vector.extract %reduce_sum3A_374[0, 0, 0] : f32 from vector<1x1x1xf32>
    %add3A_376 = arith.addf %add3A_328, %reduce_sum3A_375 : f32
    %get3A_377 = arith.constant 0 : index
    %get3A_378 = memref.load %arg6[%get3A_377] : memref<2xf32, #tpu.memory_space<smem>>
    %add3A_379 = arith.addf %get3A_378, %add3A_365 : f32
    %swap3A = arith.constant 0 : index
    %swap3A_380 = memref.load %arg6[%swap3A] : memref<2xf32, #tpu.memory_space<smem>>
    memref.store %add3A_379, %arg6[%swap3A] : memref<2xf32, #tpu.memory_space<smem>>
    %get3A_381 = arith.constant 1 : index
    %get3A_382 = memref.load %arg6[%get3A_381] : memref<2xf32, #tpu.memory_space<smem>>
    %add3A_383 = arith.addf %get3A_382, %add3A_376 : f32
    %swap3A_384 = arith.constant 1 : index
    %swap3A_385 = memref.load %arg6[%swap3A_384] : memref<2xf32, #tpu.memory_space<smem>>
    memref.store %add3A_383, %arg6[%swap3A_384] : memref<2xf32, #tpu.memory_space<smem>>
    %eq3A_386 = arith.constant 1 : i32
    %eq3A_387 = arith.cmpi eq, %arg0, %eq3A_386 : i32
    %convert_element_type3A_388 = arith.extui %eq3A_387 : i1 to i32
    %cond3A_389 = arith.constant 0 : i32
    %cond3A_390 = arith.cmpi ne, %convert_element_type3A_388, %cond3A_389 : i32
    scf.if %cond3A_390 {
      %get3A_391 = arith.constant 0 : index
      %get3A_392 = memref.load %arg6[%get3A_391] : memref<2xf32, #tpu.memory_space<smem>>
      %swap3A_393 = arith.constant 0 : index
      %swap3A_394 = memref.load %arg5[%swap3A_393] : memref<2xf32, #tpu.memory_space<smem>>
      memref.store %get3A_392, %arg5[%swap3A_393] : memref<2xf32, #tpu.memory_space<smem>>
      %get3A_395 = arith.constant 1 : index
      %get3A_396 = memref.load %arg6[%get3A_395] : memref<2xf32, #tpu.memory_space<smem>>
      %swap3A_397 = arith.constant 1 : index
      %swap3A_398 = memref.load %arg5[%swap3A_397] : memref<2xf32, #tpu.memory_space<smem>>
      memref.store %get3A_396, %arg5[%swap3A_397] : memref<2xf32, #tpu.memory_space<smem>>
    } else {
    }
    return
  }
  func.func @transform_0(%arg0: i32) -> i32 {
    %c0_i32 = arith.constant 0 : i32
    %c0_i32_0 = arith.constant 0 : i32
    return %c0_i32 : i32
  }
  func.func @transform_1(%arg0: i32) -> (i32, i32, i32) {
    %add3A = arith.constant 2 : i32
    %add3A_0 = arith.addi %add3A, %arg0 : i32
    %c0_i32 = arith.constant 0 : i32
    %c0_i32_1 = arith.constant 0 : i32
    %c0_i32_2 = arith.constant 0 : i32
    return %add3A_0, %c0_i32, %c0_i32_1 : i32, i32, i32
  }
  func.func @transform_2(%arg0: i32) -> (i32, i32, i32) {
    %add3A = arith.constant 2 : i32
    %add3A_0 = arith.addi %add3A, %arg0 : i32
    %c0_i32 = arith.constant 0 : i32
    %c0_i32_1 = arith.constant 0 : i32
    %c0_i32_2 = arith.constant 0 : i32
    return %add3A_0, %c0_i32, %c0_i32_1 : i32, i32, i32
  }
  func.func @transform_3(%arg0: i32) -> (i32, i32, i32) {
    %add3A = arith.constant 2 : i32
    %add3A_0 = arith.addi %add3A, %arg0 : i32
    %c0_i32 = arith.constant 0 : i32
    %c0_i32_1 = arith.constant 0 : i32
    %c0_i32_2 = arith.constant 0 : i32
    return %add3A_0, %c0_i32, %c0_i32_1 : i32, i32, i32
  }
  func.func @transform_4(%arg0: i32) -> i32 {
    %c0_i32 = arith.constant 0 : i32
    %c0_i32_0 = arith.constant 0 : i32
    return %c0_i32 : i32
  }
}

</mosaic_0001>

<sc_bundles>
// kernel: kernel.5.cloned.1.call-start
scs
__scs_entry_jumppad:
0x0: {  	(pc) =	sbr.rel $0x88, $3  }
0x1: {  	(tag) =	ssettag $0x0;
	lr =	simm.s32 $0x1  }
0x2: {  	[smem:$0x3F99] =	sst lr;
	_ =	strace $0xD0000000  }
0x3: {  	_ = 	snop  }
0x4: {  	_ = 	snop  }
0x5: {  	_ = 	snop  }
0x6: {  	_ = 	snop  }
0x7: {  	_ = 	snop  }
__scs_overlays_trampoline_lowered:
0x8: {  	[smem:$0x3FA8] =	sst s0  }
0x9: {  	[smem:$0x3FA9] =	sst s1  }
0xa: {  	[smem:$0x3FAA] =	sst s2  }
0xb: {  	[smem:$0x3FAB] =	sst s3  }
0xc: {  	[smem:$0x3FAC] =	sst s4  }
0xd: {  	[smem:$0x3FAD] =	sst s5  }
0xe: {  	[smem:$0x3FAE] =	sst s6  }
0xf: {  	[smem:$0x3FAF] =	sst s7  }
0x10: {  	[smem:$0x3FB0] =	sst s8  }
0x11: {  	[smem:$0x3FB1] =	sst s9;
	s0 =	simm.s32 @!p0 $0x0  }
0x12: {  	s1 =	sld [smem:$0x3F97];
	s0 =	simm.s32 @p0 $0x1  }
0x13: {  	[smem:$0x3FB2] =	sst s0;
	s0 =	simm.s32 @!p1 $0x0  }
0x14: {  	s2 =	sld [smem:$0x3F96];
	s0 =	simm.s32 @p1 $0x1  }
0x15: {  	[smem:$0x3FB3] =	sst s0;
	s0 =	simm.s32 @!p2 $0x0  }
0x16: {  	s3 =	sld [smem:$0x3FDB];
	s0 =	simm.s32 @p2 $0x1  }
0x17: {  	s4 =	simm.s32 $0x1BF5;
	[smem:$0x3FB5] =	sst s0  }
0x18: {  	s0 =	sld [smem:$0x3F98];
	_ =	swait.ge [sflag:s4], $0x0  }
0x19: {  	s7 =	sld [smem:$0x3F99]  }
0x1a: {  	s8 =	sadd.s32 $0xFFFFE003, lr  }
0x1b: {  	s9 =	sadd.s32 $0xFFFFFEF7, lr;
	s5 =	simm.s32 $0xFFFFFFFF;
	p2 =	slt.u32 s8, $0xFFFFF086  }
0x1c: {  	p1 =	slt.u32 s9, $0xF7A;
	s5 =	simm.s32 @!p2 $0x0  }
0x1d: {  	s5 =	simm.s32 @p1 $0x1;
	p0 =	seq.s32 s7, s2  }
0x1e: {  	s7 =	smul.u32 @!p0 $0xF7A, s2;
	p2 =	seq.s32 @!p0 s5, $0x0  }
0x1f: {  	s9 =	smul.u32 $0xF7A, s1;
	s8 =	simm.s32 @!p0 $0x1BF5;
	p2 =	por !p2, p0  }
0x20: {  	[sflag:s8] =	ssyncset.s32 @!p0 $0xFFFFF086;
	s6 =	sadd.s32 @!p0 s3, s7;
	s7 =	simm.s32 @!p0 $0x108  }
0x21: {  	s3 =	sadd.s32 s3, s9;
	s6 =	sadd.s32 @!p0 $0x88, s6;
	s7 =	simm.s32 @p2 $0x1082  }
0x22: {  	[simem:s7], [sflag:s8] =	dma.local @!p0 [hbm:s6], $0xF7A  }
0x23: {  	s9 =	sor.u32 $0xD0000000, s2;
	s6 =	simm.s32 $0x108;
	_ =	swait.ge @!p0 [sflag:s8], $0x0  }
0x24: {  	s3 =	sadd.s32 $0x88, s3;
	s6 =	simm.s32 @!p1 $0x1082;
	[sflag:s4] =	ssyncset.s32 $0xFFFFF086  }
0x25: {  	[simem:s6], [sflag:s4] =	dma.local [hbm:s3], $0xF7A  }
0x26: {  	[smem:$0x3F99] =	sst s1;
	(tag) =	ssettag s2;
	_ =	strace s9  }
0x27: {  	s1 =	sld [smem:$0x3FA9]  }
0x28: {  	s2 =	sld [smem:$0x3FAA]  }
0x29: {  	s4 =	sld [smem:$0x3FAC]  }
0x2a: {  	p0 =	seq.s32 s5, $0x0;
	s5 =	sld [smem:$0x3FAD]  }
0x2b: {  	s6 =	sld [smem:$0x3FAE]  }
0x2c: {  	s7 =	sld [smem:$0x3FAF]  }
0x2d: {  	s3 =	simm.s32 $0x108;
	s8 =	sld [smem:$0x3FB0]  }
0x2e: {  	s3 =	simm.s32 @!p0 $0x1082;
	s9 =	sld [smem:$0x3FB1]  }
0x2f: {  	lr =	sadd.s32 s0, s3;
	s0 =	sld [smem:$0x3FA8]  }
0x30: {  	s3 =	sld [smem:$0x3FAB]  }
0x31: {  	[smem:$0x3FB4] =	sst s10  }
0x32: {  	s10 =	sld [smem:$0x3FB2];
	_ =	sdelay $0x3  }
0x33: {  	p0 =	seq.s32 s10, $0x1;
	s10 =	sld [smem:$0x3FB4];
	_ =	sdelay $0x3  }
0x34: {  	[smem:$0x3FB4] =	sst s10  }
0x35: {  	s10 =	sld [smem:$0x3FB3];
	_ =	sdelay $0x3  }
0x36: {  	p1 =	seq.s32 s10, $0x1;
	s10 =	sld [smem:$0x3FB4];
	_ =	sdelay $0x3  }
0x37: {  	[smem:$0x3FB4] =	sst s10  }
0x38: {  	s10 =	sld [smem:$0x3FB5]  }
0x39: {  	_ = 	snop;
	(pc) =	sbr.ind lr, $3  }
0x3a: {  	_ = 	snop  }
0x3b: {  	_ = 	snop  }
0x3c: {  	p2 =	seq.s32 s10, $0x1;
	s10 =	sld [smem:$0x3FB4]  }
0x3d: {  	_ =	shalt  }
0x3e: {  	_ =	shalt  }
0x3f: {  	_ =	shalt  }
0x40: {  	_ =	shalt  }
0x41: {  	_ =	shalt  }
0x42: {  	_ =	shalt  }
0x43: {  	_ =	shalt  }
0x44: {  	_ =	shalt  }
0x45: {  	_ =	shalt  }
0x46: {  	_ =	shalt  }
0x47: {  	_ =	shalt  }
0x48: {  	_ =	shalt  }
0x49: {  	_ =	shalt  }
0x4a: {  	_ =	shalt  }
0x4b: {  	_ =	shalt  }
0x4c: {  	_ =	shalt  }
0x4d: {  	_ =	shalt  }
0x4e: {  	_ =	shalt  }
0x4f: {  	_ =	shalt  }
0x50: {  	_ =	shalt  }
0x51: {  	_ =	shalt  }
0x52: {  	_ =	shalt  }
0x53: {  	_ =	shalt  }
0x54: {  	_ =	shalt  }
0x55: {  	_ =	shalt  }
0x56: {  	_ =	shalt  }
0x57: {  	_ =	shalt  }
0x58: {  	_ =	shalt  }
0x59: {  	_ =	shalt  }
0x5a: {  	_ =	shalt  }
0x5b: {  	_ =	shalt  }
0x5c: {  	_ =	shalt  }
0x5d: {  	_ =	shalt  }
0x5e: {  	_ =	shalt  }
0x5f: {  	_ =	shalt  }
0x60: {  	_ =	shalt  }
0x61: {  	_ =	shalt  }
0x62: {  	_ =	shalt  }
0x63: {  	_ =	shalt  }
0x64: {  	_ =	shalt  }
0x65: {  	_ =	shalt  }
0x66: {  	_ =	shalt  }
0x67: {  	_ =	shalt  }
0x68: {  	_ =	shalt  }
0x69: {  	_ =	shalt  }
0x6a: {  	_ =	shalt  }
0x6b: {  	_ =	shalt  }
0x6c: {  	_ =	shalt  }
0x6d: {  	_ =	shalt  }
0x6e: {  	_ =	shalt  }
0x6f: {  	_ =	shalt  }
0x70: {  	_ =	shalt  }
0x71: {  	_ =	shalt  }
0x72: {  	_ =	shalt  }
0x73: {  	_ =	shalt  }
0x74: {  	_ =	shalt  }
0x75: {  	_ =	shalt  }
0x76: {  	_ =	shalt  }
0x77: {  	_ =	shalt  }
0x78: {  	_ =	shalt  }
0x79: {  	_ =	shalt  }
0x7a: {  	_ =	shalt  }
0x7b: {  	_ =	shalt  }
0x7c: {  	_ =	shalt  }
0x7d: {  	_ =	shalt  }
0x7e: {  	_ =	shalt  }
0x7f: {  	_ =	shalt  }
0x80: {  	_ =	shalt  }
0x81: {  	_ =	shalt  }
0x82: {  	_ =	shalt  }
0x83: {  	_ =	shalt  }
0x84: {  	_ =	shalt  }
0x85: {  	_ =	shalt  }
0x86: {  	_ =	shalt  }
0x87: {  	_ =	shalt  }
.Lfunc_end0:
.L_simem_size_0:
called_computation_lowered:
.L_overlay_start_0:
0x88: {  	s2 =	sld [smem:$0x3FD9]  }
0x89: {  	s3 =	sld [smem:$0x3FFE];
	_ =	sdelay $0x1  }
0x8a: {  	s1 =	srdreg.scid  }
0x8b: {  	s0 =	sand.u32 $0x1, s1  }
0x8c: {  	s14 =	sshll.u32 s0, $0xA;
	s2 =	sadd.s32 s3, s2  }
0x8d: {  	s2 =	sadd.s32 s2, s14  }
0x8e: {  	[smem:$0x3FC0] =	sst s2  }
0x8f: {  	_ = 	snop  }
0x90: {  	s2 =	sld [smem:$0x3FD0]  }
0x91: {  	s15 =	sld [smem:$0x3FC9]  }
0x92: {  	s4 =	sld [smem:$0x3FC8]  }
0x93: {  	s6 =	simm.s32 $0xA;
	s7 =	simm.s32 $0x10;
	s5 =	sld [smem:$0x3FC6]  }
0x94: {  	[smem:s7], [sflag:s6] =	dma.local [hbm:s2], $0x1  }
0x95: {  	_ =	swait.eq [sflag:s6], $0x1  }
0x96: {  	[sflag:s6] =	ssyncset.done $0x0  }
0x97: {  	[sflag:s6] =	ssyncadd.s32 $0xFFFFFFFF  }
0x98: {  	s16 =	sld [smem:$0x11];
	(tm) =	ssettm $0x1  }
0x99: {  	s17 =	sld [smem:$0x3FFB];
	_ =	sdelay $0x3  }
0x9a: {  	_ =	strace s17  }
0x9b: {  	s6 =	sld [smem:$0x3FFC];
	_ =	sdelay $0x3  }
0x9c: {  	_ =	strace s6  }
0x9d: {  	s6 =	sld [smem:$0x3FFD];
	_ =	sdelay $0x3  }
0x9e: {  	_ =	strace s6  }
0x9f: {  	_ =	strace $0x8FFFFFFF  }
0xa0: {  	s18 =	sld [smem:$0x3FDB];
	_ =	sdelay $0x1  }
0xa1: {  	s19 =	simm.s32 $_scs_section_size  }
0xa2: {  	s8 =	simm.s32 $_size__tile_overlayer_lowered;
	s9 =	simm.s32 $_tile_overlayer_lowered  }
0xa3: {  	s22 =	simm.s32 $0x1BFF;
	s21 =	sshll.u32 s9, $0x1;
	s6 =	sadd.s32 s19, s18  }
0xa4: {  	s10 =	simm.s32 $0x0;
	s20 =	sshll.u32 s8, $0x1;
	s8 =	sadd.s32 s21, s6  }
0xa5: {  	[timem:s10], [sflag:s22] =	dma.local [hbm:s8], s20  }
0xa6: {  	_ =	swait.ge [sflag:s22], s20  }
0xa7: {  	s7 =	ssub.s32 $0x0, s20;
	[sflag:s22] =	ssyncset.done $0x0  }
0xa8: {  	[sflag:s22] =	ssyncadd.s32 s7;
	_ =	sdelay $0x1  }
0xa9: {  	s23 =	simm.s32 $0x1B8B  }
0xaa: {  	_ =	swait.ge [sflag:s23], $0x1  }
0xab: {  	[sflag:s23] =	ssyncset.done $0x0  }
0xac: {  	s25 =	simm.s32 $0x1B8E;
	s24 =	sld [smem:$0x3FFE];
	[sflag:s23] =	ssyncadd.s32 $0xFFFFFFFF  }
0xad: {  	s26 =	simm.s32 $execute0_lowered;
	[smem:$0x3FD2] =	sst s25  }
0xae: {  	s8 =	sshll.u32 s26, $0x1;
	_ =	strace $0x80000046;
	[dreg:$0x1] =	wrdreg $0xFFFFFFFF  }
0xaf: {  	s28 =	simm.s32 $_size_execute0_lowered;
	s6 =	sadd.s32 s6, s8;
	[dreg:$0x0] =	wrdreg $0x0  }
0xb0: {  	s8 =	sshll.u32 s28, $0x1;
	[dreg:$0x2] =	wrdreg s6  }
0xb1: {  	[dreg:$0x3] =	wrdreg s8  }
0xb2: {  	[dreg:$0x4] =	wrdreg $0xC0  }
0xb3: {  	_ =	task [dreg:s10], $0x5FFFF  }
0xb4: {  	[dreg:$0x1] =	wrdreg $0xFFFFFFFF  }
0xb5: {  	[dreg:$0x0] =	wrdreg $0x60  }
0xb6: {  	[dreg:$0x2] =	wrdreg s15  }
0xb7: {  	[dreg:$0x3] =	wrdreg s4  }
0xb8: {  	[dreg:$0x4] =	wrdreg s5  }
0xb9: {  	[dreg:$0x5] =	wrdreg s24  }
0xba: {  	[dreg:$0x6] =	wrdreg s16  }
0xbb: {  	[dreg:$0x7] =	wrdreg $0x9  }
0xbc: {  	_ =	task.clear_ibuf [dreg:s10], $0x8FFFF;
	_ =	strace $0x90000046  }
0xbd: {  	s29 =	simm.s32 $0x9;
	_ =	strace $0x80000050  }
0xbe: {  	_ =	swait.ge [sflag:s29], $0x1  }
0xbf: {  	[sflag:s29] =	ssyncadd.s32 $0xFFFFFFFF  }
0xc0: {  	_ =	strace $0x90000050  }
0xc1: {  	_ =	sfence  }
0xc2: {  	s30 =	sld [smem:$0x0];
	_ =	sdelay $0x2  }
0xc3: {  	s31 =	sshll.u32 s1, $0xD;
	s1 =	sshrl.u32 s1, $0x2  }
0xc4: {  	s3 =	sand.u32 $0x4000, s31;
	s1 =	sadd.s32 s1, s30  }
0xc5: {  	s0 =	sor.u32 s3, s0;
	s1 =	sshll.u32 s1, $0x11  }
0xc6: {  	s0 =	sor.u32 s1, s0  }
0xc7: {  	s0 =	sadd.s32 $0x8F2B, s0  }
0xc8: {  	[sflag:s0] =	ssyncadd.remote.s32 $0x1  }
0xc9: {  	_ =	sfence.sel $0xFFFF  }
0xca: {  	[dreg:$0x0] =	wrdreg $0xFFFFFFFF;
	(pc) =	sbr.abs _section_cstart, $3  }
0xcb: {  	[dreg:$0x1] =	wrdreg $0xFFFFFFFF  }
0xcc: {  	_ =	task.clear_ibuf [dreg:s10], $0x2FFFF;
	_ =	strace $0x9FFFFFFF  }
0xcd: {  	(tm) =	ssettm $0x7FFFFFFF  }
tec
execute0_lowered:
.L_overlay_start_1:
0x0: {  	(tag) =	ssettag $0x1  }
0x1: {  	s0 =	rddreg [dreg:$0x0]  }
0x2: {  	s1 =	rddreg [dreg:$0x1]  }
0x3: {  	s7 =	rddreg [dreg:$0x2]  }
0x4: {  	s4 =	rddreg [dreg:$0x3]  }
0x5: {  	s3 =	srdreg.scid;
	s2 =	stileid.u32  }
0x6: {  	s12 =	simm.s32 $0x200;
	s13 =	simm.s32 $0x3A00;
	s14 =	simm.s32 $0x7200  }
0x7: {  	s15 =	simm.s32 $0x1;
	s16 =	simm.s32 $0x0;
	s5 =	sand.u32 $0x1, s3  }
0x8: {  	s3 =	simm.s32 $0x0;
	s6 =	sshll.u32 s2, $0x4;
	s8 =	sshll.u32 s5, $0x4  }
0x9: {  	[smem:$0x7FF] =	sst s3;
	s6 =	sand.u32 $0x70, s6;
	s5 =	ssub.s32 $0x2, s5  }
0xa: {  	s8 =	sor.u32 s2, s8;
	_ =	strace $0x80000047;
	s6 =	sadd.s32 s6, s4  }
0xb: {  	s11 =	sshrl.u32 s5, $0x1;
	s9 =	sshll.u32 s8, $0x4;
	s10 =	sshll.u32 s8, $0x5  }
0xc: {  	s8 =	smul.u32 $0x1180, s8;
	s31 =	ssub.s32 s5, s11;
	s9 =	sand.u32 $0x180, s9  }
0xd: {  	s11 =	simm.s32 $0x100;
	s30 =	sadd.s32 s10, s4;
	s6 =	sadd.s32 s9, s6  }
0xe: {  	s5 =	sadd.s32 s0, s8;
	s7 =	sadd.s32 s7, s8;
	s9 =	smax.u32 s31, $0x1  }
0xf: {  	v0 =	vimm.f32 $0.0e+00;
	s4 =	sadd.s32 $0x2000, s6;
	s6 =	sadd.s32 s1, s8;
	s8 =	sadd.s32 $0x2200, s30  }
.LBB2_1:
0x10: {  	s0 =	simm.s32 $0x180  }
0x11: {  	[tilespmem:s0], [sflag:$0x1] =	stream.linear.gather [hbm4b:s4+s3], $0x80, $0x38;
	[tilespmem:$0xAA00] =	vst v63  }
0x12: {  	_ =	swait.ge [sflag:s15], $0x80  }
0x13: {  	[sflag:s15] =	ssyncset.done $0x0  }
0x14: {  	[sflag:s15] =	ssyncadd.s32 $0xFFFFFF80  }
0x15: {  	s31 =	rddreg [dreg:$0x4]  }
0x16: {  	[tilespmem:s11], [sflag:$0x1] =	stream.linear.gather [hbm4b:s31+s3], $0x80, $0x38;
	[tilespmem:$0xAA00] =	vst v63  }
0x17: {  	_ =	swait.ge [sflag:s15], $0x80  }
0x18: {  	[sflag:s15] =	ssyncset.done $0x0  }
0x19: {  	[sflag:s15] =	ssyncadd.s32 $0xFFFFFF80  }
0x1a: {  	[tilespmem:$0x0] =	vst v0  }
0x1b: {  	v1 =	vld [tilespmem:$0x180];
	[tilespmem:$0x80] =	vst v0  }
0x1c: {  	v2 =	vld [tilespmem:$0x100];
	_ =	strace $0x80000048  }
0x1d: {  	[tilespmem:s12], [sflag:$0x2] =	stream.linear.gather [hbm4b:s5+s3], $0x1C00, $0x200038;
	[tilespmem:$0xAA00] =	vst v63  }
0x1e: {  	s25 =	simm.s32 $0x0;
	s17 =	simm.s32 $0x0;
	s18 =	simm.s32 $0x1  }
0x1f: {  	[tilespmem:s13], [sflag:$0x4] =	stream.linear.gather [hbm4b:s6+s3], $0x1C00, $0x200038;
	[tilespmem:$0xAA00] =	vst v63  }
0x20: {  	s19 =	simm.s32 $0x0;
	s21 =	simm.s32 $0x0;
	s22 =	simm.s32 $0x1  }
0x21: {  	[tilespmem:s14], [sflag:$0x6] =	stream.linear.gather [hbm4b:s7+s3], $0x1C00, $0x200038;
	[tilespmem:$0xAA00] =	vst v63  }
0x22: {  	s23 =	simm.s32 $0x0;
	s0 =	simm.s32 $0x1;
	_ =	strace $0x90000048  }
.LBB2_2:
0x23: {  	s24 =	sadd.s32 $0x1, s25  }
0x24: {  	p0 =	seq.s32 s24, $0x5  }
0x25: {  	s24 =	simm.s32 @p0 $0x0;
	p0 =	seq.s32 s23, $0x4  }
0x26: {  	p2 =	seq.s32 @!p0 s25, s24  }
0x27: {  	p1 =	por p2, p0  }
0x28: {  	s1 =	sand.u32 @!p1 $0x1, s22  }
0x29: {  	s20 =	smul.u32 @!p1 $0x7000, s1  }
0x2a: {  	s26 =	smul.u32 @!p1 $0x380, s24  }
0x2b: {  	_ =	strace @!p1 $0x80000049;
	s31 =	simm.s32 @!p1 $0x0;
	s20 =	sshrl.u32 @!p1 s20, $0x2  }
0x2c: {  	s1 =	sor.u32 @!p1 $0x2, s1;
	s29 =	sadd.s32 @!p1 s5, s26;
	s28 =	sor.u32 @!p1 $0x200, s20  }
0x2d: {  	[tilespmem:s28], [sflag:s1] =	stream.linear.gather @!p1 [hbm4b:s29+s31], $0x1C00, $0x200038;
	[tilespmem:$0xAA00] =	vst v63  }
0x2e: {  	s1 =	sand.u32 @!p1 $0x1, s0  }
0x2f: {  	s28 =	smul.u32 @!p1 $0x7000, s1;
	_ =	sdelay $0x1  }
0x30: {  	s29 =	sadd.s32 @!p1 s6, s26;
	_ =	strace @!p1 $0x90000049;
	s28 =	sshrl.u32 @!p1 s28, $0x2  }
0x31: {  	s1 =	sor.u32 @!p1 $0x4, s1;
	_ =	strace @!p1 $0x8000004A;
	s28 =	sadd.s32 @!p1 $0x3A00, s28  }
0x32: {  	[tilespmem:s28], [sflag:s1] =	stream.linear.gather @!p1 [hbm4b:s29+s31], $0x1C00, $0x200038;
	[tilespmem:$0xAA00] =	vst v63  }
0x33: {  	s1 =	sand.u32 @!p1 $0x1, s18  }
0x34: {  	s28 =	smul.u32 @!p1 $0x7000, s1;
	_ =	sdelay $0x1  }
0x35: {  	s26 =	sadd.s32 @!p1 s7, s26;
	_ =	strace @!p1 $0x9000004A;
	s28 =	sshrl.u32 @!p1 s28, $0x2  }
0x36: {  	s1 =	sor.u32 @!p1 $0x6, s1;
	_ =	strace @!p1 $0x8000004B;
	s28 =	sadd.s32 @!p1 $0x7200, s28  }
0x37: {  	[tilespmem:s28], [sflag:s1] =	stream.linear.gather @!p1 [hbm4b:s26+s31], $0x1C00, $0x200038;
	[tilespmem:$0xAA00] =	vst v63  }
0x38: {  	s1 =	sand.u32 $0x1, s21;
	_ =	strace @!p1 $0x9000004B  }
0x39: {  	s10 =	sor.u32 $0x2, s1;
	_ =	strace $0x8000004C  }
0x3a: {  	_ =	swait.ge [sflag:s10], $0x1C00  }
0x3b: {  	[sflag:s10] =	ssyncset.done $0x0  }
0x3c: {  	[sflag:s10] =	ssyncadd.s32 $0xFFFFE400  }
0x3d: {  	s2 =	sand.u32 $0x1, s19;
	_ =	strace $0x9000004C  }
0x3e: {  	s28 =	sor.u32 $0x4, s2;
	_ =	strace $0x8000004D  }
0x3f: {  	_ =	swait.ge [sflag:s28], $0x1C00  }
0x40: {  	[sflag:s28] =	ssyncset.done $0x0  }
0x41: {  	[sflag:s28] =	ssyncadd.s32 $0xFFFFE400  }
0x42: {  	s28 =	sand.u32 $0x1, s17;
	_ =	strace $0x9000004D  }
0x43: {  	s29 =	sor.u32 $0x6, s28;
	_ =	strace $0x8000004E  }
0x44: {  	p3 =	seq.s32 s28, $0x1;
	s28 =	simm.s32 $0x8E00;
	_ =	swait.ge [sflag:s29], $0x1C00  }
0x45: {  	s28 =	simm.s32 @!p3 $0x7200;
	[sflag:s29] =	ssyncset.done $0x0  }
0x46: {  	p3 =	seq.s32 s1, $0x1;
	s1 =	simm.s32 $0x1E00;
	v3 =	vmov s28;
	[sflag:s29] =	ssyncadd.s32 $0xFFFFE400  }
0x47: {  	s26 =	simm.s32 $0x5600;
	s1 =	simm.s32 @!p3 $0x200;
	_ =	strace $0x9000004E  }
0x48: {  	p3 =	seq.s32 s2, $0x1;
	v4 =	vmov s1;
	s1 =	simm.s32 $0x0;
	_ =	strace $0x8000004F  }
0x49: {  	s26 =	simm.s32 @!p3 $0x3A00;
	s10 =	sor.u32 s1, s1;
	v14 =	vld [tilespmem:$0x0]  }
0x4a: {  	v5 =	vmov s26;
	s28 =	sand.u32 $0x70, s1;
	s29 =	sand.u32 $0x1C00, s1;
	s26 =	sor.u32 $0x380, s10;
	v15 =	vld [tilespmem:$0x80]  }
0x4b: {  	s28 =	sor.u32 s28, s29;
	v6 =	vld.idx.msk [tilespmem:v3+s26+$0x0 ss:$0x1], $0xffff  }
0x4c: {  	s2 =	sor.u32 $0x300, s28;
	v9 =	vld.idx.msk [tilespmem:v3+s28+$0x0 ss:$0x1], $0xffff  }
0x4d: {  	s29 =	sor.u32 $0x280, s28;
	v12 =	vld.idx.msk [tilespmem:v3+s2+$0x0 ss:$0x1], $0xffff  }
0x4e: {  	s10 =	sor.u32 $0x200, s28;
	v17 =	vld.idx.msk [tilespmem:v3+s29+$0x0 ss:$0x1], $0xffff  }
0x4f: {  	v20 =	vld.idx.msk [tilespmem:v3+s10+$0x0 ss:$0x1], $0xffff  }
0x50: {  	v7 =	vld.idx.msk [tilespmem:v4+s26+$0x0 ss:$0x1], $0xffff  }
0x51: {  	v10 =	vld.idx.msk [tilespmem:v4+s28+$0x0 ss:$0x1], $0xffff  }
0x52: {  	v13 =	vld.idx.msk [tilespmem:v4+s2+$0x0 ss:$0x1], $0xffff  }
0x53: {  	v18 =	vld.idx.msk [tilespmem:v4+s29+$0x0 ss:$0x1], $0xffff  }
0x54: {  	v21 =	vld.idx.msk [tilespmem:v4+s10+$0x0 ss:$0x1], $0xffff  }
0x55: {  	v8 =	vld.idx.msk [tilespmem:v5+s26+$0x0 ss:$0x1], $0xffff  }
0x56: {  	v11 =	vld.idx.msk [tilespmem:v5+s28+$0x0 ss:$0x1], $0xffff  }
0x57: {  	v16 =	vld.idx.msk [tilespmem:v5+s2+$0x0 ss:$0x1], $0xffff  }
0x58: {  	v19 =	vld.idx.msk [tilespmem:v5+s29+$0x0 ss:$0x1], $0xffff  }
0x59: {  	s29 =	sor.u32 $0x180, s28;
	v22 =	vld.idx.msk [tilespmem:v5+s10+$0x0 ss:$0x1], $0xffff  }
0x5a: {  	v23 =	vld.idx.msk [tilespmem:v3+s29+$0x0 ss:$0x1], $0xffff  }
0x5b: {  	v24 =	vld.idx.msk [tilespmem:v4+s29+$0x0 ss:$0x1], $0xffff  }
0x5c: {  	s2 =	sor.u32 $0x100, s28;
	v25 =	vld.idx.msk [tilespmem:v5+s29+$0x0 ss:$0x1], $0xffff  }
0x5d: {  	v26 =	vld.idx.msk [tilespmem:v3+s2+$0x0 ss:$0x1], $0xffff  }
0x5e: {  	v27 =	vld.idx.msk [tilespmem:v4+s2+$0x0 ss:$0x1], $0xffff  }
0x5f: {  	s29 =	sor.u32 $0x80, s28;
	v28 =	vld.idx.msk [tilespmem:v5+s2+$0x0 ss:$0x1], $0xffff  }
0x60: {  	s26 =	simm.s32 $0x10;
	s28 =	simm.s32 $0x80;
	v30 =	vld.idx.msk [tilespmem:v3+s29+$0x0 ss:$0x1], $0xffff;
	v29 =	vsub.f32 v7, v6  }
0x61: {  	s31 =	sor.u32 s28, s26;
	v32 =	vld.idx.msk [tilespmem:v4+s29+$0x0 ss:$0x1], $0xffff;
	v31 =	vsub.f32 v10, v9;
	v36 =	vsub.f32 v13, v12  }
0x62: {  	v35 =	vld.idx.msk [tilespmem:v5+s29+$0x0 ss:$0x1], $0xffff;
	s2 =	sor.u32 $0x380, s31;
	v37 =	vsub.f32 v18, v17;
	v21 =	vsub.f32 v21, v20  }
0x63: {  	v7 =	vld.idx.msk [tilespmem:v5+s2+$0x0 ss:$0x1], $0xffff;
	v33 =	vsub.f32 v8, v6;
	v34 =	vsub.f32 v11, v9  }
0x64: {  	s29 =	sand.u32 $0x70, s26;
	s31 =	sand.u32 $0x1C00, s28;
	v6 =	vld.idx.msk [tilespmem:v3+s2+$0x0 ss:$0x1], $0xffff;
	v38 =	vsub.f32 v16, v12;
	v39 =	vsub.f32 v19, v17  }
0x65: {  	s31 =	sor.u32 s29, s31;
	v9 =	vld.idx.msk [tilespmem:v4+s2+$0x0 ss:$0x1], $0xffff;
	v20 =	vsub.f32 v22, v20;
	v17 =	vsub.f32 v24, v23  }
0x66: {  	v8 =	vld.idx.msk [tilespmem:v3+s31+$0x0 ss:$0x1], $0xffff;
	v11 =	vadd.s32 s1, v2;
	v16 =	vsub.f32 v27, v26;
	v18 =	vsub.f32 v25, v23  }
0x67: {  	v10 =	vld.idx.msk [tilespmem:v4+s31+$0x0 ss:$0x1], $0xffff;
	vm0 =	vlt.s32 v11, v1;
	v22 =	vand.u32 $0x7FFFFFFF, v31;
	v13 =	vsub.f32 v32, v30  }
0x68: {  	s10 =	sor.u32 $0x300, s31;
	v11 =	vld.idx.msk [tilespmem:v5+s31+$0x0 ss:$0x1], $0xffff;
	v23 =	vand.u32 $0x7FFFFFFF, v34;
	v24 =	vsub.f32 v35, v30;
	v22 =	vnsel vm0, $0x0, v22  }
0x69: {  	v19 =	vsub.f32 v28, v26;
	v12 =	vld.idx.msk [tilespmem:v3+s10+$0x0 ss:$0x1], $0xffff;
	v23 =	vnsel vm0, $0x0, v23;
	v22 =	vadd.f32 v22, v14  }
0x6a: {  	s2 =	sor.u32 $0x280, s31;
	v14 =	vld.idx.msk [tilespmem:v5+s10+$0x0 ss:$0x1], $0xffff;
	v25 =	vand.u32 $0x7FFFFFFF, v13;
	v23 =	vadd.f32 v23, v15;
	v15 =	vand.u32 $0x7FFFFFFF, v24  }
0x6b: {  	v26 =	vand.u32 $0x7FFFFFFF, v16;
	v16 =	vld.idx.msk [tilespmem:v4+s2+$0x0 ss:$0x1], $0xffff;
	v24 =	vnsel vm0, $0x0, v25;
	v25 =	vnsel vm0, $0x0, v15  }
0x6c: {  	v19 =	vand.u32 $0x7FFFFFFF, v19;
	v13 =	vld.idx.msk [tilespmem:v4+s10+$0x0 ss:$0x1], $0xffff;
	v22 =	vadd.f32 v24, v22;
	v23 =	vadd.f32 v25, v23  }
0x6d: {  	v19 =	vnsel vm0, $0x0, v19;
	v15 =	vld.idx.msk [tilespmem:v3+s2+$0x0 ss:$0x1], $0xffff;
	v24 =	vnsel vm0, $0x0, v26;
	v25 =	vand.u32 $0x7FFFFFFF, v17  }
0x6e: {  	s10 =	sor.u32 $0x200, s31;
	v17 =	vld.idx.msk [tilespmem:v5+s2+$0x0 ss:$0x1], $0xffff;
	v22 =	vadd.f32 v24, v22;
	v23 =	vadd.f32 v19, v23;
	v19 =	vand.u32 $0x7FFFFFFF, v18  }
0x6f: {  	v21 =	vand.u32 $0x7FFFFFFF, v21;
	v18 =	vld.idx.msk [tilespmem:v3+s10+$0x0 ss:$0x1], $0xffff;
	v24 =	vnsel vm0, $0x0, v25;
	v25 =	vnsel vm0, $0x0, v19  }
0x70: {  	v19 =	vld.idx.msk [tilespmem:v4+s10+$0x0 ss:$0x1], $0xffff;
	v22 =	vadd.f32 v24, v22;
	v23 =	vadd.f32 v25, v23;
	v24 =	vand.u32 $0x7FFFFFFF, v20  }
0x71: {  	s2 =	sor.u32 $0x180, s31;
	v26 =	vand.u32 $0x7FFFFFFF, v37;
	v20 =	vld.idx.msk [tilespmem:v5+s10+$0x0 ss:$0x1], $0xffff;
	v25 =	vnsel vm0, $0x0, v21;
	v24 =	vnsel vm0, $0x0, v24  }
0x72: {  	p2 =	por !p2, p0;
	s29 =	simm.s32 $0x0;
	v21 =	vld.idx.msk [tilespmem:v3+s2+$0x0 ss:$0x1], $0xffff;
	v25 =	vadd.f32 v25, v22;
	v24 =	vadd.f32 v24, v23;
	v23 =	vand.u32 $0x7FFFFFFF, v39  }
0x73: {  	s20 =	smov.u32 s0;
	s1 =	sadd.s32 @!p1 $0x1, s0;
	s29 =	simm.s32 @p2 $0x1;
	v28 =	vand.u32 $0x7FFFFFFF, v36;
	v26 =	vnsel vm0, $0x0, v26;
	v22 =	vld.idx.msk [tilespmem:v4+s2+$0x0 ss:$0x1], $0xffff;
	v27 =	vnsel vm0, $0x0, v23  }
0x74: {  	s0 =	smov.u32 @p2 s1;
	s1 =	sor.u32 $0x100, s31;
	s10 =	sadd.s32 @!p1 $0x1, s22;
	v23 =	vld.idx.msk [tilespmem:v5+s2+$0x0 ss:$0x1], $0xffff;
	v30 =	vadd.f32 v26, v25;
	v31 =	vadd.f32 v27, v24;
	v25 =	vand.u32 $0x7FFFFFFF, v38  }
0x75: {  	s30 =	smov.u32 s22;
	s29 =	simm.s32 @p0 $0x0;
	s22 =	smov.u32 @p2 s10;
	v24 =	vld.idx.msk [tilespmem:v3+s1+$0x0 ss:$0x1], $0xffff;
	v27 =	vnsel vm0, $0x0, v28;
	v26 =	vand.u32 $0x7FFFFFFF, v29;
	v28 =	vnsel vm0, $0x0, v25  }
0x76: {  	s0 =	smov.u32 @p0 s20;
	s20 =	simm.s32 $0x20;
	s22 =	smov.u32 @p0 s30;
	v29 =	vand.u32 $0x7FFFFFFF, v33;
	v25 =	vld.idx.msk [tilespmem:v4+s1+$0x0 ss:$0x1], $0xffff;
	v27 =	vadd.f32 v27, v30;
	v28 =	vadd.f32 v28, v31  }
.LBB2_3:
0x77: {  	p1 =	sne.s32 s20, $0x310;
	s2 =	sor.u32 $0x80, s31;
	v30 =	vld.idx.msk [tilespmem:v5+s1+$0x0 ss:$0x1], $0xffff;
	v31 =	vsub.f32 v9, v6;
	v9 =	vnsel vm0, $0x0, v26;
	v26 =	vnsel vm0, $0x0, v29  }
0x78: {  	s28 =	sadd.s32 $0x80, s28;
	v29 =	vld.idx.msk [tilespmem:v3+s2+$0x0 ss:$0x1], $0xffff;
	v27 =	vadd.f32 v9, v27;
	v26 =	vadd.f32 v26, v28  }
0x79: {  	v33 =	vsub.f32 v7, v6;
	s1 =	sor.u32 s28, s20;
	v28 =	vsub.f32 v10, v8;
	v32 =	vld.idx.msk [tilespmem:v4+s2+$0x0 ss:$0x1], $0xffff  }
0x7a: {  	v34 =	vsub.f32 v11, v8;
	v36 =	vsub.f32 v13, v12;
	s1 =	sor.u32 $0x380, s1;
	v35 =	vld.idx.msk [tilespmem:v5+s2+$0x0 ss:$0x1], $0xffff  }
0x7b: {  	v37 =	vsub.f32 v16, v15;
	v38 =	vsub.f32 v14, v12;
	v6 =	vld.idx.msk [tilespmem:v3+s1+$0x0 ss:$0x1], $0xffff  }
0x7c: {  	v19 =	vsub.f32 v19, v18;
	v39 =	vsub.f32 v17, v15;
	s10 =	sand.u32 $0x1C00, s28;
	s2 =	sand.u32 $0x70, s20;
	v9 =	vld.idx.msk [tilespmem:v4+s1+$0x0 ss:$0x1], $0xffff  }
0x7d: {  	v20 =	vsub.f32 v20, v18;
	v17 =	vsub.f32 v22, v21;
	s31 =	sor.u32 s2, s10;
	v7 =	vld.idx.msk [tilespmem:v5+s1+$0x0 ss:$0x1], $0xffff  }
0x7e: {  	v11 =	vadd.s32 s26, v2;
	s26 =	smov.u32 s20;
	v18 =	vsub.f32 v23, v21;
	v15 =	vsub.f32 v25, v24;
	v8 =	vld.idx.msk [tilespmem:v3+s31+$0x0 ss:$0x1], $0xffff  }
0x7f: {  	vm0 =	vlt.s32 v11, v1;
	v16 =	vsub.f32 v30, v24;
	v13 =	vsub.f32 v32, v29;
	v10 =	vld.idx.msk [tilespmem:v4+s31+$0x0 ss:$0x1], $0xffff  }
0x80: {  	v21 =	vand.u32 $0x7FFFFFFF, v34;
	v14 =	vand.u32 $0x7FFFFFFF, v28;
	s1 =	sor.u32 $0x300, s31;
	v22 =	vsub.f32 v35, v29;
	v11 =	vld.idx.msk [tilespmem:v5+s31+$0x0 ss:$0x1], $0xffff  }
0x81: {  	v21 =	vnsel vm0, $0x0, v21;
	v14 =	vnsel vm0, $0x0, v14;
	v23 =	vand.u32 $0x7FFFFFFF, v13;
	v12 =	vld.idx.msk [tilespmem:v3+s1+$0x0 ss:$0x1], $0xffff  }
0x82: {  	v21 =	vadd.f32 v21, v26;
	v24 =	vadd.f32 v14, v27;
	v22 =	vand.u32 $0x7FFFFFFF, v22;
	v13 =	vld.idx.msk [tilespmem:v4+s1+$0x0 ss:$0x1], $0xffff  }
0x83: {  	s2 =	sor.u32 $0x280, s31;
	v25 =	vand.u32 $0x7FFFFFFF, v15;
	v23 =	vnsel vm0, $0x0, v23;
	v22 =	vnsel vm0, $0x0, v22;
	v14 =	vld.idx.msk [tilespmem:v5+s1+$0x0 ss:$0x1], $0xffff  }
0x84: {  	v23 =	vadd.f32 v23, v24;
	v21 =	vadd.f32 v22, v21;
	v22 =	vand.u32 $0x7FFFFFFF, v16;
	v15 =	vld.idx.msk [tilespmem:v3+s2+$0x0 ss:$0x1], $0xffff  }
0x85: {  	v24 =	vnsel vm0, $0x0, v25;
	v25 =	vand.u32 $0x7FFFFFFF, v17;
	v22 =	vnsel vm0, $0x0, v22;
	v16 =	vld.idx.msk [tilespmem:v4+s2+$0x0 ss:$0x1], $0xffff  }
0x86: {  	s1 =	sor.u32 $0x200, s31;
	v23 =	vadd.f32 v24, v23;
	v21 =	vadd.f32 v22, v21;
	v22 =	vand.u32 $0x7FFFFFFF, v18;
	v17 =	vld.idx.msk [tilespmem:v5+s2+$0x0 ss:$0x1], $0xffff  }
0x87: {  	v24 =	vnsel vm0, $0x0, v25;
	v25 =	vand.u32 $0x7FFFFFFF, v19;
	v22 =	vnsel vm0, $0x0, v22;
	v18 =	vld.idx.msk [tilespmem:v3+s1+$0x0 ss:$0x1], $0xffff  }
0x88: {  	v23 =	vadd.f32 v24, v23;
	v22 =	vadd.f32 v22, v21;
	v21 =	vand.u32 $0x7FFFFFFF, v20;
	v19 =	vld.idx.msk [tilespmem:v4+s1+$0x0 ss:$0x1], $0xffff  }
0x89: {  	v26 =	vand.u32 $0x7FFFFFFF, v37;
	s2 =	sor.u32 $0x180, s31;
	v24 =	vnsel vm0, $0x0, v25;
	v25 =	vnsel vm0, $0x0, v21;
	v20 =	vld.idx.msk [tilespmem:v5+s1+$0x0 ss:$0x1], $0xffff  }
.Ltmp0:
0x8a: {  	v24 =	vadd.f32 v24, v23;
	v23 =	vand.u32 $0x7FFFFFFF, v39;
	v25 =	vadd.f32 v25, v22;
	v21 =	vld.idx.msk [tilespmem:v3+s2+$0x0 ss:$0x1], $0xffff;
	(pc) =	sbr.rel @p1 .LBB2_3-.Ltmp0, $4  }
0x8b: {  	v28 =	vand.u32 $0x7FFFFFFF, v36;
	v26 =	vnsel vm0, $0x0, v26;
	v27 =	vnsel vm0, $0x0, v23;
	v22 =	vld.idx.msk [tilespmem:v4+s2+$0x0 ss:$0x1], $0xffff  }
0x8c: {  	s1 =	sor.u32 $0x100, s31;
	v29 =	vadd.f32 v26, v24;
	v30 =	vadd.f32 v27, v25;
	v25 =	vand.u32 $0x7FFFFFFF, v38;
	v23 =	vld.idx.msk [tilespmem:v5+s2+$0x0 ss:$0x1], $0xffff  }
0x8d: {  	v26 =	vand.u32 $0x7FFFFFFF, v31;
	v27 =	vnsel vm0, $0x0, v28;
	v28 =	vnsel vm0, $0x0, v25;
	v24 =	vld.idx.msk [tilespmem:v3+s1+$0x0 ss:$0x1], $0xffff  }
0x8e: {  	s20 =	sadd.s32 $0x10, s20;
	v27 =	vadd.f32 v27, v29;
	v29 =	vand.u32 $0x7FFFFFFF, v33;
	v28 =	vadd.f32 v28, v30;
	v25 =	vld.idx.msk [tilespmem:v4+s1+$0x0 ss:$0x1], $0xffff  }
0x8f: {  	_ =	sdelay $0x1  }
0x90: {  	v9 =	vsub.f32 v9, v6  }
0x91: {  	s2 =	sor.u32 $0x80, s31;
	v10 =	vsub.f32 v10, v8;
	v32 =	vsub.f32 v7, v6  }
0x92: {  	v33 =	vsub.f32 v11, v8;
	v34 =	vsub.f32 v13, v12;
	v3 =	vld.idx.msk [tilespmem:v3+s2+$0x0 ss:$0x1], $0xffff  }
0x93: {  	v36 =	vsub.f32 v16, v15;
	v37 =	vsub.f32 v14, v12;
	v4 =	vld.idx.msk [tilespmem:v4+s2+$0x0 ss:$0x1], $0xffff  }
0x94: {  	v26 =	vnsel vm0, $0x0, v26;
	v38 =	vsub.f32 v19, v18;
	v39 =	vsub.f32 v17, v15;
	v35 =	vld.idx.msk [tilespmem:v5+s2+$0x0 ss:$0x1], $0xffff  }
0x95: {  	v29 =	vnsel vm0, $0x0, v29;
	v41 =	vsub.f32 v20, v18;
	v26 =	vadd.f32 v26, v27  }
0x96: {  	v30 =	vld.idx.msk [tilespmem:v5+s1+$0x0 ss:$0x1], $0xffff;
	v42 =	vadd.s32 s26, v2;
	v31 =	vadd.f32 v29, v28;
	v40 =	vsub.f32 v22, v21  }
0x97: {  	vm15 =	vlt.s32 v42, v1;
	v44 =	vsub.f32 v23, v21;
	v10 =	vand.u32 $0x7FFFFFFF, v10  }
0x98: {  	v7 =	vand.u32 $0x7FFFFFFF, v33;
	v46 =	vnsel vm15, $0x0, v10;
	v4 =	vsub.f32 v4, v3  }
0x99: {  	v7 =	vnsel vm15, $0x0, v7;
	v43 =	vsub.f32 v25, v24;
	v3 =	vsub.f32 v35, v3  }
0x9a: {  	v5 =	vadd.f32 v46, v26;
	v7 =	vadd.f32 v7, v31;
	v4 =	vand.u32 $0x7FFFFFFF, v4  }
0x9b: {  	v45 =	vsub.f32 v30, v24;
	v3 =	vand.u32 $0x7FFFFFFF, v3;
	v4 =	vnsel vm15, $0x0, v4  }
0x9c: {  	v47 =	vand.u32 $0x7FFFFFFF, v43;
	v3 =	vnsel vm15, $0x0, v3;
	v4 =	vadd.f32 v4, v5  }
0x9d: {  	v48 =	vand.u32 $0x7FFFFFFF, v45;
	v49 =	vnsel vm15, $0x0, v47;
	v3 =	vadd.f32 v3, v7  }
0x9e: {  	v50 =	vand.u32 $0x7FFFFFFF, v40;
	v5 =	vnsel vm15, $0x0, v48;
	v4 =	vadd.f32 v49, v4  }
0x9f: {  	v51 =	vand.u32 $0x7FFFFFFF, v44;
	v52 =	vnsel vm15, $0x0, v50;
	v3 =	vadd.f32 v5, v3  }
0xa0: {  	v53 =	vand.u32 $0x7FFFFFFF, v38;
	v5 =	vnsel vm15, $0x0, v51;
	v4 =	vadd.f32 v52, v4  }
0xa1: {  	v54 =	vand.u32 $0x7FFFFFFF, v41;
	v55 =	vnsel vm15, $0x0, v53;
	v3 =	vadd.f32 v5, v3  }
0xa2: {  	v56 =	vand.u32 $0x7FFFFFFF, v36;
	v5 =	vnsel vm15, $0x0, v54;
	v4 =	vadd.f32 v55, v4  }
0xa3: {  	v57 =	vand.u32 $0x7FFFFFFF, v39;
	v58 =	vnsel vm15, $0x0, v56;
	v3 =	vadd.f32 v5, v3  }
0xa4: {  	v8 =	vand.u32 $0x7FFFFFFF, v34;
	v5 =	vnsel vm15, $0x0, v57;
	v4 =	vadd.f32 v58, v4  }
0xa5: {  	p1 =	sne.s32 s25, s24;
	v59 =	vand.u32 $0x7FFFFFFF, v37;
	v60 =	vnsel vm15, $0x0, v8;
	v3 =	vadd.f32 v5, v3  }
0xa6: {  	s1 =	simm.s32 $0x1;
	s23 =	sadd.s32 $0x1, s23;
	p0 =	por p0, p1;
	v61 =	vand.u32 $0x7FFFFFFF, v9;
	v5 =	vnsel vm15, $0x0, v59;
	v4 =	vadd.f32 v60, v4  }
0xa7: {  	v62 =	vand.u32 $0x7FFFFFFF, v32;
	s1 =	simm.s32 @!p0 $0x0;
	p0 =	sne.s32 s23, $0x5;
	v63 =	vnsel vm15, $0x0, v61;
	v3 =	vadd.f32 v5, v3  }
.Ltmp1:
0xa8: {  	v5 =	vnsel vm15, $0x0, v62;
	v4 =	vadd.f32 v63, v4;
	(pc) =	sbr.rel @p0 .LBB2_2-.Ltmp1, $4  }
0xa9: {  	v3 =	vadd.f32 v5, v3  }
0xaa: {  	[tilespmem:$0x0] =	vst v4  }
0xab: {  	s18 =	sadd.s32 s18, s29;
	s25 =	smov.u32 s24;
	s21 =	sadd.s32 s1, s21;
	[tilespmem:$0x80] =	vst v3  }
0xac: {  	s19 =	sadd.s32 s1, s19;
	s17 =	sadd.s32 s1, s17;
	_ =	strace $0x9000004F  }
0xad: {  	s16 =	sadd.s32 $0x1, s16  }
0xae: {  	p0 =	sne.s32 s16, s9  }
.Ltmp2:
0xaf: {  	_ = 	snop;
	(pc) =	sbr.rel @p0 .LBB2_1-.Ltmp2, $4  }
0xb0: {  	[hbm4b:s8+s3] =	stream.linear.scatter [tilespmem:s3], [sflag:$0x1], $0x100, $0x38;
	[tilespmem:$0xAA00] =	vst v63  }
0xb1: {  	_ =	swait.ge [sflag:s15], $0x100  }
0xb2: {  	[sflag:s15] =	ssyncset.done $0x0  }
0xb3: {  	[sflag:s15] =	ssyncadd.s32 $0xFFFFFF00  }
0xb4: {  	_ =	sfence.sel $0x180000  }
0xb5: {  	[bflag:$0x0] =	sbarrier.arrive $0xFFFF  }
0xb6: {  	_ =	strace $0x90000047  }
0xb7: {  	s0 =	stileid.u32;
	[bflag:$0x2] =	sbarrier.arrive $0xFFFF  }
0xb8: {  	p0 =	sne.s32 s0, $0x0;
	s0 =	rddreg [dreg:$0x5]  }
0xb9: {  	s0 =	sadd.s32 @!p0 $0x100000, s0  }
0xba: {  	[sflag:s0] =	ssyncadd.tile.s32 @!p0 $0x1;
	_ =	shalt  }
.Lfunc_end2:
_tile_overlayer_lowered:
.L_overlay_start_2:
0xbb: {  	(tag) =	ssettag $0x2  }
0xbc: {  	s0 =	rddreg [dreg:$0x0];
	s2 =	stileid.u32  }
0xbd: {  	s1 =	rddreg [dreg:$0x1];
	p0 =	sne.s32 s2, $0x0  }
0xbe: {  	s3 =	rddreg [dreg:$0x2];
	[bflag:$0x3] =	sbarrier.arrive $0xFFFF;
	s2 =	simm.s32 @!p0 $0x1C02  }
0xbf: {  	[timem:s3], [sflag:s2] =	dma.local @!p0 [hbm:s0], s1  }
0xc0: {  	s0 =	simm.s32 @!p0 $0x2  }
0xc1: {  	_ =	swait.ge @!p0 [sflag:s0], s1  }
0xc2: {  	s1 =	ssub.s32 @!p0 $0x0, s1;
	[sflag:s0] =	ssyncset.done @!p0 $0x0  }
0xc3: {  	[sflag:s0] =	ssyncadd.s32 @!p0 s1  }
0xc4: {  	[bflag:$0x3] =	sbarrier.arrive $0xFFFF  }
0xc5: {  	_ =	shalt  }

</sc_bundles>
